<compile_context>
chip_gen: v7x
topology: tpu7x:2x2x1
jax: 0.10.2.dev20260603
libtpu: 0.0.44.dev20260713+nightly
codegen_flags: <defaults>
</compile_context>

<pallas_src>
import functools

import jax
import jax.numpy as jnp
from jax import lax
from jax.experimental import pallas as pl
from jax.experimental.pallas import tpu as pltpu
from jax.experimental.pallas import tpu_sc as plsc

N = 10000
E = 320000
D = 128
G = 16

NC, NS = 2, 16
NW = NC * NS
C = 128
EWP = 10240
J = EWP // C
JH = J // 2
NPAD = 10240
RPT = NPAD // NS
EP = NW * EWP

_mesh = plsc.VectorSubcoreMesh(core_axis_name="c", subcore_axis_name="s")


@functools.partial(
    pl.kernel,
    out_type=jax.ShapeDtypeStruct((NC, NPAD, D), jnp.float32),
    mesh=_mesh,
    scratch_types=[
        pltpu.VMEM((JH * C,), jnp.int32),
        pltpu.VMEM((J, C), jnp.int32),
        pltpu.VMEM((C, D), jnp.float32),
        pltpu.VMEM((C, D), jnp.float32),
        pltpu.VMEM_SHARED((NPAD, D), jnp.float32),
        pltpu.SemaphoreType.DMA,
        pltpu.SemaphoreType.DMA,
    ],
)
def _sc_prop(u_hbm, col_hbm, row_hbm, zero_hbm, out_hbm,
             colv, rowv, b0, b1, acc, gsem, ssem):
    cid = lax.axis_index("c")
    sid = lax.axis_index("s")
    wid = cid * NS + sid

    def g_start(jl, buf):
        pltpu.async_copy(u_hbm.at[colv.at[pl.ds(jl * C, C)]], buf, gsem)

    def g_wait(jl, buf):
        pltpu.make_async_copy(u_hbm.at[colv.at[pl.ds(jl * C, C)]], buf,
                              gsem).wait()

    def s_start(jg, buf):
        pltpu.async_copy(buf, acc.at[rowv.at[jg]], ssem, add=True)

    def s_wait(jg, buf):
        pltpu.make_async_copy(buf, acc.at[rowv.at[jg]], ssem).wait()

    pltpu.async_copy(row_hbm.at[wid], rowv, ssem)
    pltpu.async_copy(col_hbm.at[wid, pl.ds(0, JH * C)], colv, ssem)
    pltpu.make_async_copy(row_hbm.at[wid], rowv, ssem).wait()
    pltpu.make_async_copy(col_hbm.at[wid, pl.ds(0, JH * C)], colv,
                          ssem).wait()
    g_start(0, b0)
    g_start(1, b1)
    pltpu.sync_copy(zero_hbm, acc.at[pl.ds(sid * RPT, RPT)])
    plsc.subcore_barrier()

    for h in range(2):
        base = h * JH

        def body(i, carry, base=base):
            jl = i * 2
            g_wait(jl, b0)
            s_start(base + jl, b0)
            g_wait(jl + 1, b1)
            s_start(base + jl + 1, b1)
            s_wait(base + jl, b0)
            g_start(jl + 2, b0)
            s_wait(base + jl + 1, b1)
            g_start(jl + 3, b1)
            return carry

        lax.fori_loop(0, (JH - 2) // 2, body, 0)

        g_wait(JH - 2, b0)
        s_start(base + JH - 2, b0)
        g_wait(JH - 1, b1)
        s_start(base + JH - 1, b1)
        if h == 0:
            pltpu.sync_copy(col_hbm.at[wid, pl.ds(JH * C, JH * C)], colv)
            s_wait(base + JH - 2, b0)
            g_start(0, b0)
            s_wait(base + JH - 1, b1)
            g_start(1, b1)
        else:
            s_wait(base + JH - 2, b0)
            s_wait(base + JH - 1, b1)

    plsc.subcore_barrier()
    pltpu.sync_copy(acc.at[pl.ds(sid * RPT, RPT)],
                    out_hbm.at[cid, pl.ds(sid * RPT, RPT)])



BT = 5000
NB = N // BT


def _deg_body(sp_ref, x_ref, dinv_ref, u_ref):
    deg = sp_ref[0, :, 0:1] + sp_ref[1, :, 0:1]
    dinv = jnp.where(deg > 0, 1.0 / jnp.sqrt(jnp.maximum(deg, 1e-12)), 0.0)
    dinv_ref[...] = dinv
    u_ref[...] = dinv * x_ref[...]


def _tc_deg(sp, x):
    return pl.pallas_call(
        _deg_body,
        grid=(NB,),
        in_specs=[
            pl.BlockSpec((NC, BT, D), lambda i: (0, i, 0)),
            pl.BlockSpec((BT, D), lambda i: (i, 0)),
        ],
        out_specs=[
            pl.BlockSpec((BT, 1), lambda i: (i, 0)),
            pl.BlockSpec((BT, D), lambda i: (i, 0)),
        ],
        out_shape=[
            jax.ShapeDtypeStruct((N, 1), jnp.float32),
            jax.ShapeDtypeStruct((N, D), jnp.float32),
        ],
    )(sp, x)


def _mid_a_body(sp_ref, h_ref, dinv_ref, w_ref, b_ref, u_ref, p_ref):
    s = sp_ref[0] + sp_ref[1]
    dinv = dinv_ref[...]
    t = -dinv * s
    u_ref[...] = dinv * t
    w02 = w_ref[0] - w_ref[2]
    p_ref[...] = (
        jnp.dot(h_ref[...], w02, preferred_element_type=jnp.float32)
        + jnp.dot(t, w_ref[1], preferred_element_type=jnp.float32)
        + b_ref[...]
    )


def _tc_mid_a(sp, h, dinv, w, b):
    return pl.pallas_call(
        _mid_a_body,
        grid=(NB,),
        in_specs=[
            pl.BlockSpec((NC, BT, D), lambda i: (0, i, 0)),
            pl.BlockSpec((BT, D), lambda i: (i, 0)),
            pl.BlockSpec((BT, 1), lambda i: (i, 0)),
            pl.BlockSpec((3, D, D), lambda i: (0, 0, 0)),
            pl.BlockSpec((1, D), lambda i: (0, 0)),
        ],
        out_specs=[
            pl.BlockSpec((BT, D), lambda i: (i, 0)),
            pl.BlockSpec((BT, D), lambda i: (i, 0)),
        ],
        out_shape=[
            jax.ShapeDtypeStruct((N, D), jnp.float32),
            jax.ShapeDtypeStruct((N, D), jnp.float32),
        ],
    )(sp, h, dinv, w, b)


def _mid_b_body(sp_ref, p_ref, dinv_ref, w_ref, a_ref, h_ref, u_ref):
    s = sp_ref[0] + sp_ref[1]
    dinv = dinv_ref[...]
    q = dinv * s
    o = p_ref[...] - 2.0 * jnp.dot(q, w_ref[2],
                                   preferred_element_type=jnp.float32)
    hh = jnp.where(o >= 0, o, a_ref[...] * o)
    h_ref[...] = hh
    u_ref[...] = dinv * hh


def _tc_mid_b(sp, p, dinv, w, a):
    return pl.pallas_call(
        _mid_b_body,
        grid=(NB,),
        in_specs=[
            pl.BlockSpec((NC, BT, D), lambda i: (0, i, 0)),
            pl.BlockSpec((BT, D), lambda i: (i, 0)),
            pl.BlockSpec((BT, 1), lambda i: (i, 0)),
            pl.BlockSpec((3, D, D), lambda i: (0, 0, 0)),
            pl.BlockSpec((1, D), lambda i: (0, 0)),
        ],
        out_specs=[
            pl.BlockSpec((BT, D), lambda i: (i, 0)),
            pl.BlockSpec((BT, D), lambda i: (i, 0)),
        ],
        out_shape=[
            jax.ShapeDtypeStruct((N, D), jnp.float32),
            jax.ShapeDtypeStruct((N, D), jnp.float32),
        ],
    )(sp, p, dinv, w, a)


def _mid_b_pool_body(sp_ref, p_ref, dinv_ref, w_ref, a_ref, batch_ref,
                     out_ref, cnt_acc):
    i = pl.program_id(0)
    s = sp_ref[0] + sp_ref[1]
    q = dinv_ref[...] * s
    o = p_ref[...] - 2.0 * jnp.dot(q, w_ref[2],
                                   preferred_element_type=jnp.float32)
    hh = jnp.where(o >= 0, o, a_ref[...] * o)
    onehot = (batch_ref[...] ==
              lax.broadcasted_iota(jnp.int32, (1, G), 1)).astype(jnp.float32)
    sums = lax.dot_general(onehot, hh, (((0,), (0,)), ((), ())),
                           preferred_element_type=jnp.float32)
    cnts = lax.dot_general(onehot, jnp.ones((BT, 1), jnp.float32),
                           (((0,), (0,)), ((), ())),
                           preferred_element_type=jnp.float32)

    @pl.when(i == 0)
    def _():
        out_ref[...] = jnp.zeros_like(out_ref)
        cnt_acc[...] = jnp.zeros_like(cnt_acc)

    out_ref[...] += sums
    cnt_acc[...] += cnts

    @pl.when(i == NB - 1)
    def _():
        out_ref[...] = out_ref[...] / jnp.maximum(cnt_acc[...], 1.0)


def _tc_mid_b_pool(sp, p, dinv, w, a, batch2):
    return pl.pallas_call(
        _mid_b_pool_body,
        grid=(NB,),
        in_specs=[
            pl.BlockSpec((NC, BT, D), lambda i: (0, i, 0)),
            pl.BlockSpec((BT, D), lambda i: (i, 0)),
            pl.BlockSpec((BT, 1), lambda i: (i, 0)),
            pl.BlockSpec((3, D, D), lambda i: (0, 0, 0)),
            pl.BlockSpec((1, D), lambda i: (0, 0)),
            pl.BlockSpec((BT, 1), lambda i: (i, 0)),
        ],
        out_specs=pl.BlockSpec((G, D), lambda i: (0, 0)),
        out_shape=jax.ShapeDtypeStruct((G, D), jnp.float32),
        scratch_shapes=[pltpu.VMEM((G, 1), jnp.float32)],
    )(sp, p, dinv, w, a, batch2)


def kernel(x, edge_index, batch, W1, b1, a1, W2, b2, a2):
    row = edge_index[0].astype(jnp.int32)
    col = edge_index[1].astype(jnp.int32)
    npad = EP - E
    pad_ids = jnp.arange(npad, dtype=jnp.int32)
    rowp = jnp.concatenate([row, N + (pad_ids % (NPAD - N))])
    colp = jnp.concatenate([col, pad_ids % 128])
    row_h = rowp.reshape(NW, J, C)
    col_h = colp.reshape(NW, EWP)
    zero_rows = jnp.zeros((RPT, D), jnp.float32)
    ones_src = jnp.ones((N, D), jnp.float32)
    b1r = b1.reshape(1, D)
    a1r = a1.reshape(1, D)
    b2r = b2.reshape(1, D)
    a2r = a2.reshape(1, D)
    batch2 = batch.astype(jnp.int32).reshape(N, 1)

    def step(carry, i):
        u, p, h, dinv, pool = carry
        sp = _sc_prop(u, col_h, row_h, zero_rows)

        def br_deg(_):
            dinv2, u0 = _tc_deg(sp, x)
            return (u0, p, h, dinv2, pool)

        def br_mid1(_):
            u1, p1 = _tc_mid_a(sp, x, dinv, W1, b1r)
            return (u1, p1, h, dinv, pool)

        def br_mid2(_):
            h1, u2 = _tc_mid_b(sp, p, dinv, W1, a1r)
            return (u2, p, h1, dinv, pool)

        def br_mid3(_):
            u3, p2 = _tc_mid_a(sp, h, dinv, W2, b2r)
            return (u3, p2, h, dinv, pool)

        def br_mid4(_):
            out = _tc_mid_b_pool(sp, p, dinv, W2, a2r, batch2)
            return (u, p, h, dinv, out)

        new_carry = lax.switch(i, [br_deg, br_mid1, br_mid2, br_mid3,
                                   br_mid4], None)
        return new_carry, None

    init = (ones_src, jnp.zeros((N, D), jnp.float32), x,
            jnp.zeros((N, 1), jnp.float32), jnp.zeros((G, D), jnp.float32))
    (_, _, _, _, pool_f), _ = lax.scan(
        step, init, jnp.arange(5, dtype=jnp.int32))
    return pool_f

# --- scband reference (transcript-rebuilt; emitter-appended) ---
"""Pipeline reference for scband-fgdnbranch-80401787781631 (READ-ONLY COPY).

The authoritative reference and input builder live on the scoring server;
editing this copy changes nothing except your own understanding.
"""

import jax, jax.numpy as jnp
import numpy as np

N_NODES = 10000
N_EDGES = 320000
D = 128
NUM_GRAPHS = 16

def setup_inputs(seed: int = 0) -> dict:
    key = jax.random.key(seed)
    ks = jax.random.split(key, 10)
    x = jax.random.normal(ks[0], (N_NODES, D), dtype=jnp.float32)
    edge_index = jax.random.randint(ks[1], (2, N_EDGES), 0, N_NODES, dtype=jnp.int64)
    batch = jnp.sort(jax.random.randint(ks[2], (N_NODES,), 0, NUM_GRAPHS, dtype=jnp.int64))
    s = 1.0 / np.sqrt(D)
    W1 = jax.random.uniform(ks[3], (3, D, D), dtype=jnp.float32, minval=-s, maxval=s)
    b1 = jnp.zeros((D,), dtype=jnp.float32)
    a1 = jnp.full((D,), 0.25, dtype=jnp.float32)
    W2 = jax.random.uniform(ks[4], (3, D, D), dtype=jnp.float32, minval=-s, maxval=s)
    b2 = jnp.zeros((D,), dtype=jnp.float32)
    a2 = jnp.full((D,), 0.25, dtype=jnp.float32)
    return {"x": x, "edge_index": edge_index, "batch": batch,
            "W1": W1, "b1": b1, "a1": a1, "W2": W2, "b2": b2, "a2": a2}

def _cheb_conv(x, edge_index, W, b):
    # PyG ChebConv, normalization='sym', lambda_max=2.0 (default assumption):
    # scaled Laplacian L_hat = L - I = -D^{-1/2} A D^{-1/2}
    row, col = edge_index[0], edge_index[1]
    n = x.shape[0]
    deg = jnp.zeros((n,), dtype=x.dtype).at[row].add(1.0)
    deg_inv_sqrt = jnp.where(deg > 0, 1.0 / jnp.sqrt(jnp.maximum(deg, 1e-12)), 0.0)
    norm = -deg_inv_sqrt[row] * deg_inv_sqrt[col]

    def prop(h):
        return jax.ops.segment_sum(norm[:, None] * h[col], row, num_segments=n)

    Tx0 = x
    out = Tx0 @ W[0]
    Tx1 = prop(Tx0)
    out = out + Tx1 @ W[1]
    Tx2 = 2.0 * prop(Tx1) - Tx0
    out = out + Tx2 @ W[2]
    return out + b

def _prelu(x, a):
    return jnp.where(x >= 0, x, a * x)

def _global_mean_pool(x, batch, num_graphs):
    sums = jax.ops.segment_sum(x, batch, num_segments=num_graphs)
    cnts = jax.ops.segment_sum(jnp.ones((x.shape[0],), dtype=x.dtype), batch, num_segments=num_graphs)
    return sums / jnp.maximum(cnts, 1.0)[:, None]

def reference(x, edge_index, batch, W1, b1, a1, W2, b2, a2):
    h = _cheb_conv(x, edge_index, W1, b1)
    h = _prelu(h, a1)
    # dropout is identity at inference
    h = _cheb_conv(h, edge_index, W2, b2)
    h = _prelu(h, a2)
    return _global_mean_pool(h, batch, NUM_GRAPHS)

if __name__ == "__main__":
    import jax
    _d = setup_inputs()
    print(jax.jit(kernel)(*tuple(_d.values())))

</pallas_src>

<mosaic_0001>
#map = affine_map<(d0, d1) -> (0, 0)>
#map1 = affine_map<(d0, d1) -> (0, 0, 0)>
module attributes {stable_mosaic.version = 14 : i64} {
  func.func @_sc_prop(%arg0: i32, %arg1: i32, %arg2: memref<10000x128xf32, #tpu.memory_space<hbm>>, %arg3: memref<32x10240xi32, #tpu.memory_space<hbm>>, %arg4: memref<32x80x128xi32, #tpu.memory_space<hbm>>, %arg5: memref<640x128xf32, #tpu.memory_space<hbm>>, %arg6: memref<2x10240x128xf32, #tpu.memory_space<hbm>>, %arg7: memref<5120xi32, #tpu.memory_space<vmem>>, %arg8: memref<80x128xi32, #tpu.memory_space<vmem>>, %arg9: memref<128x128xf32, #tpu.memory_space<vmem>>, %arg10: memref<128x128xf32, #tpu.memory_space<vmem>>, %arg11: memref<10240x128xf32, #tpu.memory_space<vmem_shared>>, %arg12: memref<!tpu.dma_semaphore, #tpu.memory_space<semaphore_mem>>, %arg13: memref<!tpu.dma_semaphore, #tpu.memory_space<semaphore_mem>>) attributes {dimension_semantics = [#tpu.dimension_semantics<core_parallel>, #tpu.dimension_semantics<subcore_parallel>], iteration_bounds = array<i64: 2, 16>, scalar_prefetch = 0 : i64, scratch_operands = 7 : i64, tpu.core_type = #tpu.core_type<sc_vector_subcore>, window_params = [{transform_indices = #map}, {transform_indices = #map}, {transform_indices = #map1}, {transform_indices = #map}, {transform_indices = #map1}]} {
    %mul3A = arith.constant 16 : i32
    %mul3A_0 = arith.muli %arg0, %mul3A : i32
    %add3A = arith.addi %mul3A_0, %arg1 : i32
    %dma_start3A = arith.constant 0 : i32
    %dma_start3A_1 = arith.constant 0 : i32
    %dma_start3A_2 = tpu.memref_slice %arg4[%add3A, %dma_start3A, %dma_start3A_1] : memref<32x80x128xi32, #tpu.memory_space<hbm>> -> memref<1x80x128xi32, #tpu.memory_space<hbm>>
    %dma_start3A_3 = tpu.memref_squeeze %dma_start3A_2 : memref<1x80x128xi32, #tpu.memory_space<hbm>> -> memref<80x128xi32, #tpu.memory_space<hbm>>
    %dma_start3A_4 = arith.constant 0 : i32
    %dma_start3A_5 = arith.constant 0 : i32
    %dma_start3A_6 = tpu.memref_slice %arg4[%add3A, %dma_start3A_4, %dma_start3A_5] : memref<32x80x128xi32, #tpu.memory_space<hbm>> -> memref<1x80x128xi32, #tpu.memory_space<hbm>>
    %dma_start3A_7 = tpu.memref_squeeze %dma_start3A_6 : memref<1x80x128xi32, #tpu.memory_space<hbm>> -> memref<80x128xi32, #tpu.memory_space<hbm>>
    tpu.enqueue_dma source(%dma_start3A_7 : memref<80x128xi32, #tpu.memory_space<hbm>>) target(%arg8 : memref<80x128xi32, #tpu.memory_space<vmem>>) target_semaphore(%arg13 : memref<!tpu.dma_semaphore, #tpu.memory_space<semaphore_mem>>)
    %dma_start3A_8 = arith.constant 0 : i32
    %dma_start3A_9 = tpu.memref_slice %arg3[%add3A, %dma_start3A_8] : memref<32x10240xi32, #tpu.memory_space<hbm>> -> memref<1x5120xi32, #tpu.memory_space<hbm>>
    %dma_start3A_10 = tpu.memref_squeeze %dma_start3A_9 : memref<1x5120xi32, #tpu.memory_space<hbm>> -> memref<5120xi32, #tpu.memory_space<hbm>>
    %dma_start3A_11 = arith.constant 0 : i32
    %dma_start3A_12 = tpu.memref_slice %arg3[%add3A, %dma_start3A_11] : memref<32x10240xi32, #tpu.memory_space<hbm>> -> memref<1x5120xi32, #tpu.memory_space<hbm>>
    %dma_start3A_13 = tpu.memref_squeeze %dma_start3A_12 : memref<1x5120xi32, #tpu.memory_space<hbm>> -> memref<5120xi32, #tpu.memory_space<hbm>>
    tpu.enqueue_dma source(%dma_start3A_13 : memref<5120xi32, #tpu.memory_space<hbm>>) target(%arg7 : memref<5120xi32, #tpu.memory_space<vmem>>) target_semaphore(%arg13 : memref<!tpu.dma_semaphore, #tpu.memory_space<semaphore_mem>>)
    %dma_wait3A = arith.constant 0 : i32
    %dma_wait3A_14 = arith.constant 0 : i32
    %dma_wait3A_15 = tpu.memref_slice %arg4[%add3A, %dma_wait3A, %dma_wait3A_14] : memref<32x80x128xi32, #tpu.memory_space<hbm>> -> memref<1x80x128xi32, #tpu.memory_space<hbm>>
    %dma_wait3A_16 = tpu.memref_squeeze %dma_wait3A_15 : memref<1x80x128xi32, #tpu.memory_space<hbm>> -> memref<80x128xi32, #tpu.memory_space<hbm>>
    %dma_wait3A_17 = arith.constant 0 : i32
    %dma_wait3A_18 = arith.constant 0 : i32
    %dma_wait3A_19 = tpu.memref_slice %arg4[%add3A, %dma_wait3A_17, %dma_wait3A_18] : memref<32x80x128xi32, #tpu.memory_space<hbm>> -> memref<1x80x128xi32, #tpu.memory_space<hbm>>
    %dma_wait3A_20 = tpu.memref_squeeze %dma_wait3A_19 : memref<1x80x128xi32, #tpu.memory_space<hbm>> -> memref<80x128xi32, #tpu.memory_space<hbm>>
    tpu.wait_dma2 semaphore(%arg13 : memref<!tpu.dma_semaphore, #tpu.memory_space<semaphore_mem>>) src(%dma_wait3A_20 : memref<80x128xi32, #tpu.memory_space<hbm>>) dst(%arg8 : memref<80x128xi32, #tpu.memory_space<vmem>>)
    %dma_wait3A_21 = arith.constant 0 : i32
    %dma_wait3A_22 = tpu.memref_slice %arg3[%add3A, %dma_wait3A_21] : memref<32x10240xi32, #tpu.memory_space<hbm>> -> memref<1x5120xi32, #tpu.memory_space<hbm>>
    %dma_wait3A_23 = tpu.memref_squeeze %dma_wait3A_22 : memref<1x5120xi32, #tpu.memory_space<hbm>> -> memref<5120xi32, #tpu.memory_space<hbm>>
    %dma_wait3A_24 = arith.constant 0 : i32
    %dma_wait3A_25 = tpu.memref_slice %arg3[%add3A, %dma_wait3A_24] : memref<32x10240xi32, #tpu.memory_space<hbm>> -> memref<1x5120xi32, #tpu.memory_space<hbm>>
    %dma_wait3A_26 = tpu.memref_squeeze %dma_wait3A_25 : memref<1x5120xi32, #tpu.memory_space<hbm>> -> memref<5120xi32, #tpu.memory_space<hbm>>
    tpu.wait_dma2 semaphore(%arg13 : memref<!tpu.dma_semaphore, #tpu.memory_space<semaphore_mem>>) src(%dma_wait3A_26 : memref<5120xi32, #tpu.memory_space<hbm>>) dst(%arg7 : memref<5120xi32, #tpu.memory_space<vmem>>)
    %dma_start3A_27 = arith.constant 0 : i32
    %dma_start3A_28 = tpu.memref_slice %arg7[%dma_start3A_27] : memref<5120xi32, #tpu.memory_space<vmem>> -> memref<128xi32, #tpu.memory_space<vmem>>
    %dma_start3A_29 = arith.constant 0 : i32
    %dma_start3A_30 = arith.constant 0 : i32
    %dma_start3A_31 = tpu.memref_slice %arg2[%dma_start3A_29, %dma_start3A_30] : memref<10000x128xf32, #tpu.memory_space<hbm>> -> memref<10000x128xf32, #tpu.memory_space<hbm>>
    tpu.enqueue_indirect_dma source(%dma_start3A_31 : memref<10000x128xf32, #tpu.memory_space<hbm>>) target(%arg9 : memref<128x128xf32, #tpu.memory_space<vmem>>) offsets(%dma_start3A_28 : memref<128xi32, #tpu.memory_space<vmem>>) semaphore(%arg12 : memref<!tpu.dma_semaphore, #tpu.memory_space<semaphore_mem>>)
    %dma_start3A_32 = arith.constant 128 : i32
    %dma_start3A_33 = tpu.memref_slice %arg7[%dma_start3A_32] : memref<5120xi32, #tpu.memory_space<vmem>> -> memref<128xi32, #tpu.memory_space<vmem>>
    %dma_start3A_34 = arith.constant 0 : i32
    %dma_start3A_35 = arith.constant 0 : i32
    %dma_start3A_36 = tpu.memref_slice %arg2[%dma_start3A_34, %dma_start3A_35] : memref<10000x128xf32, #tpu.memory_space<hbm>> -> memref<10000x128xf32, #tpu.memory_space<hbm>>
    tpu.enqueue_indirect_dma source(%dma_start3A_36 : memref<10000x128xf32, #tpu.memory_space<hbm>>) target(%arg10 : memref<128x128xf32, #tpu.memory_space<vmem>>) offsets(%dma_start3A_33 : memref<128xi32, #tpu.memory_space<vmem>>) semaphore(%arg12 : memref<!tpu.dma_semaphore, #tpu.memory_space<semaphore_mem>>)
    %mul3A_37 = arith.constant 640 : i32
    %mul3A_38 = arith.muli %arg1, %mul3A_37 : i32
    "tpu.region"() ({
      %run_scoped3A = tpu.sem_alloc : memref<!tpu.dma_semaphore, #tpu.memory_space<semaphore_mem>>
      %dma_start3A_141 = arith.constant 0 : i32
      %dma_start3A_142 = tpu.memref_slice %arg11[%mul3A_38, %dma_start3A_141] : memref<10240x128xf32, #tpu.memory_space<vmem_shared>> -> memref<640x128xf32, #tpu.memory_space<vmem_shared>>
      tpu.enqueue_dma source(%arg5 : memref<640x128xf32, #tpu.memory_space<hbm>>) target(%dma_start3A_142 : memref<640x128xf32, #tpu.memory_space<vmem_shared>>) target_semaphore(%run_scoped3A : memref<!tpu.dma_semaphore, #tpu.memory_space<semaphore_mem>>)
      %dma_wait3A_143 = arith.constant 0 : i32
      %dma_wait3A_144 = tpu.memref_slice %arg11[%mul3A_38, %dma_wait3A_143] : memref<10240x128xf32, #tpu.memory_space<vmem_shared>> -> memref<640x128xf32, #tpu.memory_space<vmem_shared>>
      tpu.wait_dma2 semaphore(%run_scoped3A : memref<!tpu.dma_semaphore, #tpu.memory_space<semaphore_mem>>) src(%arg5 : memref<640x128xf32, #tpu.memory_space<hbm>>) dst(%dma_wait3A_144 : memref<640x128xf32, #tpu.memory_space<vmem_shared>>)
      tpu.yield
    }) : () -> ()
    %barrier3A = arith.constant 0 : index
    tpu.barrier barrier_id(%barrier3A)
    %scan3A = arith.constant 0 : i32
    %scan3A_39 = arith.constant 0 : i32
    %scan3A_40 = arith.constant 19 : i32
    %scan3A_41 = arith.addi %scan3A_39, %scan3A_40 : i32
    %scan3A_42 = arith.constant 1 : i32
    scf.for %scan3A_141 = %scan3A_39 to %scan3A_41 step %scan3A_42  : i32 {
      %mul3A_142 = arith.constant 2 : i32
      %mul3A_143 = arith.muli %scan3A_141, %mul3A_142 : i32
      %mul3A_144 = arith.constant 128 : i32
      %mul3A_145 = arith.muli %mul3A_143, %mul3A_144 : i32
      %dma_wait3A_146 = tpu.memref_slice %arg7[%mul3A_145] : memref<5120xi32, #tpu.memory_space<vmem>> -> memref<128xi32, #tpu.memory_space<vmem>>
      %dma_wait3A_147 = arith.constant 0 : i32
      %dma_wait3A_148 = arith.constant 0 : i32
      %dma_wait3A_149 = tpu.memref_slice %arg2[%dma_wait3A_147, %dma_wait3A_148] : memref<10000x128xf32, #tpu.memory_space<hbm>> -> memref<10000x128xf32, #tpu.memory_space<hbm>>
      tpu.wait_indirect_dma semaphore(%arg12 : memref<!tpu.dma_semaphore, #tpu.memory_space<semaphore_mem>>) src(%dma_wait3A_149 : memref<10000x128xf32, #tpu.memory_space<hbm>>) dst(%arg9 : memref<128x128xf32, #tpu.memory_space<vmem>>)
      %add3A_150 = arith.constant 0 : i32
      %add3A_151 = arith.addi %add3A_150, %mul3A_143 : i32
      %dma_start3A_152 = arith.constant 0 : i32
      %dma_start3A_153 = tpu.memref_slice %arg8[%add3A_151, %dma_start3A_152] : memref<80x128xi32, #tpu.memory_space<vmem>> -> memref<1x128xi32, #tpu.memory_space<vmem>>
      %dma_start3A_154 = tpu.memref_squeeze %dma_start3A_153 : memref<1x128xi32, #tpu.memory_space<vmem>> -> memref<128xi32, #tpu.memory_space<vmem>>
      %dma_start3A_155 = arith.constant 0 : i32
      %dma_start3A_156 = arith.constant 0 : i32
      %dma_start3A_157 = tpu.memref_slice %arg11[%dma_start3A_155, %dma_start3A_156] : memref<10240x128xf32, #tpu.memory_space<vmem_shared>> -> memref<10240x128xf32, #tpu.memory_space<vmem_shared>>
      tpu.enqueue_indirect_dma source(%arg9 : memref<128x128xf32, #tpu.memory_space<vmem>>) target(%dma_start3A_157 : memref<10240x128xf32, #tpu.memory_space<vmem_shared>>) offsets(%dma_start3A_154 : memref<128xi32, #tpu.memory_space<vmem>>) semaphore(%arg13 : memref<!tpu.dma_semaphore, #tpu.memory_space<semaphore_mem>>) {add = true}
      %add3A_158 = arith.constant 1 : i32
      %add3A_159 = arith.addi %mul3A_143, %add3A_158 : i32
      %mul3A_160 = arith.constant 128 : i32
      %mul3A_161 = arith.muli %add3A_159, %mul3A_160 : i32
      %dma_wait3A_162 = tpu.memref_slice %arg7[%mul3A_161] : memref<5120xi32, #tpu.memory_space<vmem>> -> memref<128xi32, #tpu.memory_space<vmem>>
      %dma_wait3A_163 = arith.constant 0 : i32
      %dma_wait3A_164 = arith.constant 0 : i32
      %dma_wait3A_165 = tpu.memref_slice %arg2[%dma_wait3A_163, %dma_wait3A_164] : memref<10000x128xf32, #tpu.memory_space<hbm>> -> memref<10000x128xf32, #tpu.memory_space<hbm>>
      tpu.wait_indirect_dma semaphore(%arg12 : memref<!tpu.dma_semaphore, #tpu.memory_space<semaphore_mem>>) src(%dma_wait3A_165 : memref<10000x128xf32, #tpu.memory_space<hbm>>) dst(%arg10 : memref<128x128xf32, #tpu.memory_space<vmem>>)
      %add3A_166 = arith.constant 0 : i32
      %add3A_167 = arith.addi %add3A_166, %mul3A_143 : i32
      %add3A_168 = arith.constant 1 : i32
      %add3A_169 = arith.addi %add3A_167, %add3A_168 : i32
      %dma_start3A_170 = arith.constant 0 : i32
      %dma_start3A_171 = tpu.memref_slice %arg8[%add3A_169, %dma_start3A_170] : memref<80x128xi32, #tpu.memory_space<vmem>> -> memref<1x128xi32, #tpu.memory_space<vmem>>
      %dma_start3A_172 = tpu.memref_squeeze %dma_start3A_171 : memref<1x128xi32, #tpu.memory_space<vmem>> -> memref<128xi32, #tpu.memory_space<vmem>>
      %dma_start3A_173 = arith.constant 0 : i32
      %dma_start3A_174 = arith.constant 0 : i32
      %dma_start3A_175 = tpu.memref_slice %arg11[%dma_start3A_173, %dma_start3A_174] : memref<10240x128xf32, #tpu.memory_space<vmem_shared>> -> memref<10240x128xf32, #tpu.memory_space<vmem_shared>>
      tpu.enqueue_indirect_dma source(%arg10 : memref<128x128xf32, #tpu.memory_space<vmem>>) target(%dma_start3A_175 : memref<10240x128xf32, #tpu.memory_space<vmem_shared>>) offsets(%dma_start3A_172 : memref<128xi32, #tpu.memory_space<vmem>>) semaphore(%arg13 : memref<!tpu.dma_semaphore, #tpu.memory_space<semaphore_mem>>) {add = true}
      %add3A_176 = arith.constant 0 : i32
      %add3A_177 = arith.addi %add3A_176, %mul3A_143 : i32
      %dma_wait3A_178 = arith.constant 0 : i32
      %dma_wait3A_179 = tpu.memref_slice %arg8[%add3A_177, %dma_wait3A_178] : memref<80x128xi32, #tpu.memory_space<vmem>> -> memref<1x128xi32, #tpu.memory_space<vmem>>
      %dma_wait3A_180 = tpu.memref_squeeze %dma_wait3A_179 : memref<1x128xi32, #tpu.memory_space<vmem>> -> memref<128xi32, #tpu.memory_space<vmem>>
      %dma_wait3A_181 = arith.constant 0 : i32
      %dma_wait3A_182 = arith.constant 0 : i32
      %dma_wait3A_183 = tpu.memref_slice %arg11[%dma_wait3A_181, %dma_wait3A_182] : memref<10240x128xf32, #tpu.memory_space<vmem_shared>> -> memref<10240x128xf32, #tpu.memory_space<vmem_shared>>
      tpu.wait_indirect_dma semaphore(%arg13 : memref<!tpu.dma_semaphore, #tpu.memory_space<semaphore_mem>>) src(%arg9 : memref<128x128xf32, #tpu.memory_space<vmem>>) dst(%dma_wait3A_183 : memref<10240x128xf32, #tpu.memory_space<vmem_shared>>)
      %add3A_184 = arith.constant 2 : i32
      %add3A_185 = arith.addi %mul3A_143, %add3A_184 : i32
      %mul3A_186 = arith.constant 128 : i32
      %mul3A_187 = arith.muli %add3A_185, %mul3A_186 : i32
      %dma_start3A_188 = tpu.memref_slice %arg7[%mul3A_187] : memref<5120xi32, #tpu.memory_space<vmem>> -> memref<128xi32, #tpu.memory_space<vmem>>
      %dma_start3A_189 = arith.constant 0 : i32
      %dma_start3A_190 = arith.constant 0 : i32
      %dma_start3A_191 = tpu.memref_slice %arg2[%dma_start3A_189, %dma_start3A_190] : memref<10000x128xf32, #tpu.memory_space<hbm>> -> memref<10000x128xf32, #tpu.memory_space<hbm>>
      tpu.enqueue_indirect_dma source(%dma_start3A_191 : memref<10000x128xf32, #tpu.memory_space<hbm>>) target(%arg9 : memref<128x128xf32, #tpu.memory_space<vmem>>) offsets(%dma_start3A_188 : memref<128xi32, #tpu.memory_space<vmem>>) semaphore(%arg12 : memref<!tpu.dma_semaphore, #tpu.memory_space<semaphore_mem>>)
      %add3A_192 = arith.constant 0 : i32
      %add3A_193 = arith.addi %add3A_192, %mul3A_143 : i32
      %add3A_194 = arith.constant 1 : i32
      %add3A_195 = arith.addi %add3A_193, %add3A_194 : i32
      %dma_wait3A_196 = arith.constant 0 : i32
      %dma_wait3A_197 = tpu.memref_slice %arg8[%add3A_195, %dma_wait3A_196] : memref<80x128xi32, #tpu.memory_space<vmem>> -> memref<1x128xi32, #tpu.memory_space<vmem>>
      %dma_wait3A_198 = tpu.memref_squeeze %dma_wait3A_197 : memref<1x128xi32, #tpu.memory_space<vmem>> -> memref<128xi32, #tpu.memory_space<vmem>>
      %dma_wait3A_199 = arith.constant 0 : i32
      %dma_wait3A_200 = arith.constant 0 : i32
      %dma_wait3A_201 = tpu.memref_slice %arg11[%dma_wait3A_199, %dma_wait3A_200] : memref<10240x128xf32, #tpu.memory_space<vmem_shared>> -> memref<10240x128xf32, #tpu.memory_space<vmem_shared>>
      tpu.wait_indirect_dma semaphore(%arg13 : memref<!tpu.dma_semaphore, #tpu.memory_space<semaphore_mem>>) src(%arg10 : memref<128x128xf32, #tpu.memory_space<vmem>>) dst(%dma_wait3A_201 : memref<10240x128xf32, #tpu.memory_space<vmem_shared>>)
      %add3A_202 = arith.constant 3 : i32
      %add3A_203 = arith.addi %mul3A_143, %add3A_202 : i32
      %mul3A_204 = arith.constant 128 : i32
      %mul3A_205 = arith.muli %add3A_203, %mul3A_204 : i32
      %dma_start3A_206 = tpu.memref_slice %arg7[%mul3A_205] : memref<5120xi32, #tpu.memory_space<vmem>> -> memref<128xi32, #tpu.memory_space<vmem>>
      %dma_start3A_207 = arith.constant 0 : i32
      %dma_start3A_208 = arith.constant 0 : i32
      %dma_start3A_209 = tpu.memref_slice %arg2[%dma_start3A_207, %dma_start3A_208] : memref<10000x128xf32, #tpu.memory_space<hbm>> -> memref<10000x128xf32, #tpu.memory_space<hbm>>
      tpu.enqueue_indirect_dma source(%dma_start3A_209 : memref<10000x128xf32, #tpu.memory_space<hbm>>) target(%arg10 : memref<128x128xf32, #tpu.memory_space<vmem>>) offsets(%dma_start3A_206 : memref<128xi32, #tpu.memory_space<vmem>>) semaphore(%arg12 : memref<!tpu.dma_semaphore, #tpu.memory_space<semaphore_mem>>)
    }
    %scan3A_43 = arith.constant 19 : i32
    %dma_wait3A_44 = arith.constant 4864 : i32
    %dma_wait3A_45 = tpu.memref_slice %arg7[%dma_wait3A_44] : memref<5120xi32, #tpu.memory_space<vmem>> -> memref<128xi32, #tpu.memory_space<vmem>>
    %dma_wait3A_46 = arith.constant 0 : i32
    %dma_wait3A_47 = arith.constant 0 : i32
    %dma_wait3A_48 = tpu.memref_slice %arg2[%dma_wait3A_46, %dma_wait3A_47] : memref<10000x128xf32, #tpu.memory_space<hbm>> -> memref<10000x128xf32, #tpu.memory_space<hbm>>
    tpu.wait_indirect_dma semaphore(%arg12 : memref<!tpu.dma_semaphore, #tpu.memory_space<semaphore_mem>>) src(%dma_wait3A_48 : memref<10000x128xf32, #tpu.memory_space<hbm>>) dst(%arg9 : memref<128x128xf32, #tpu.memory_space<vmem>>)
    %dma_start3A_49 = arith.constant 38 : i32
    %dma_start3A_50 = arith.constant 0 : i32
    %dma_start3A_51 = tpu.memref_slice %arg8[%dma_start3A_49, %dma_start3A_50] : memref<80x128xi32, #tpu.memory_space<vmem>> -> memref<1x128xi32, #tpu.memory_space<vmem>>
    %dma_start3A_52 = tpu.memref_squeeze %dma_start3A_51 : memref<1x128xi32, #tpu.memory_space<vmem>> -> memref<128xi32, #tpu.memory_space<vmem>>
    %dma_start3A_53 = arith.constant 0 : i32
    %dma_start3A_54 = arith.constant 0 : i32
    %dma_start3A_55 = tpu.memref_slice %arg11[%dma_start3A_53, %dma_start3A_54] : memref<10240x128xf32, #tpu.memory_space<vmem_shared>> -> memref<10240x128xf32, #tpu.memory_space<vmem_shared>>
    tpu.enqueue_indirect_dma source(%arg9 : memref<128x128xf32, #tpu.memory_space<vmem>>) target(%dma_start3A_55 : memref<10240x128xf32, #tpu.memory_space<vmem_shared>>) offsets(%dma_start3A_52 : memref<128xi32, #tpu.memory_space<vmem>>) semaphore(%arg13 : memref<!tpu.dma_semaphore, #tpu.memory_space<semaphore_mem>>) {add = true}
    %dma_wait3A_56 = arith.constant 4992 : i32
    %dma_wait3A_57 = tpu.memref_slice %arg7[%dma_wait3A_56] : memref<5120xi32, #tpu.memory_space<vmem>> -> memref<128xi32, #tpu.memory_space<vmem>>
    %dma_wait3A_58 = arith.constant 0 : i32
    %dma_wait3A_59 = arith.constant 0 : i32
    %dma_wait3A_60 = tpu.memref_slice %arg2[%dma_wait3A_58, %dma_wait3A_59] : memref<10000x128xf32, #tpu.memory_space<hbm>> -> memref<10000x128xf32, #tpu.memory_space<hbm>>
    tpu.wait_indirect_dma semaphore(%arg12 : memref<!tpu.dma_semaphore, #tpu.memory_space<semaphore_mem>>) src(%dma_wait3A_60 : memref<10000x128xf32, #tpu.memory_space<hbm>>) dst(%arg10 : memref<128x128xf32, #tpu.memory_space<vmem>>)
    %dma_start3A_61 = arith.constant 39 : i32
    %dma_start3A_62 = arith.constant 0 : i32
    %dma_start3A_63 = tpu.memref_slice %arg8[%dma_start3A_61, %dma_start3A_62] : memref<80x128xi32, #tpu.memory_space<vmem>> -> memref<1x128xi32, #tpu.memory_space<vmem>>
    %dma_start3A_64 = tpu.memref_squeeze %dma_start3A_63 : memref<1x128xi32, #tpu.memory_space<vmem>> -> memref<128xi32, #tpu.memory_space<vmem>>
    %dma_start3A_65 = arith.constant 0 : i32
    %dma_start3A_66 = arith.constant 0 : i32
    %dma_start3A_67 = tpu.memref_slice %arg11[%dma_start3A_65, %dma_start3A_66] : memref<10240x128xf32, #tpu.memory_space<vmem_shared>> -> memref<10240x128xf32, #tpu.memory_space<vmem_shared>>
    tpu.enqueue_indirect_dma source(%arg10 : memref<128x128xf32, #tpu.memory_space<vmem>>) target(%dma_start3A_67 : memref<10240x128xf32, #tpu.memory_space<vmem_shared>>) offsets(%dma_start3A_64 : memref<128xi32, #tpu.memory_space<vmem>>) semaphore(%arg13 : memref<!tpu.dma_semaphore, #tpu.memory_space<semaphore_mem>>) {add = true}
    "tpu.region"() ({
      %run_scoped3A = tpu.sem_alloc : memref<!tpu.dma_semaphore, #tpu.memory_space<semaphore_mem>>
      %dma_start3A_141 = arith.constant 5120 : i32
      %dma_start3A_142 = tpu.memref_slice %arg3[%add3A, %dma_start3A_141] : memref<32x10240xi32, #tpu.memory_space<hbm>> -> memref<1x5120xi32, #tpu.memory_space<hbm>>
      %dma_start3A_143 = tpu.memref_squeeze %dma_start3A_142 : memref<1x5120xi32, #tpu.memory_space<hbm>> -> memref<5120xi32, #tpu.memory_space<hbm>>
      %dma_start3A_144 = arith.constant 5120 : i32
      %dma_start3A_145 = tpu.memref_slice %arg3[%add3A, %dma_start3A_144] : memref<32x10240xi32, #tpu.memory_space<hbm>> -> memref<1x5120xi32, #tpu.memory_space<hbm>>
      %dma_start3A_146 = tpu.memref_squeeze %dma_start3A_145 : memref<1x5120xi32, #tpu.memory_space<hbm>> -> memref<5120xi32, #tpu.memory_space<hbm>>
      tpu.enqueue_dma source(%dma_start3A_146 : memref<5120xi32, #tpu.memory_space<hbm>>) target(%arg7 : memref<5120xi32, #tpu.memory_space<vmem>>) target_semaphore(%run_scoped3A : memref<!tpu.dma_semaphore, #tpu.memory_space<semaphore_mem>>)
      %dma_wait3A_147 = arith.constant 5120 : i32
      %dma_wait3A_148 = tpu.memref_slice %arg3[%add3A, %dma_wait3A_147] : memref<32x10240xi32, #tpu.memory_space<hbm>> -> memref<1x5120xi32, #tpu.memory_space<hbm>>
      %dma_wait3A_149 = tpu.memref_squeeze %dma_wait3A_148 : memref<1x5120xi32, #tpu.memory_space<hbm>> -> memref<5120xi32, #tpu.memory_space<hbm>>
      %dma_wait3A_150 = arith.constant 5120 : i32
      %dma_wait3A_151 = tpu.memref_slice %arg3[%add3A, %dma_wait3A_150] : memref<32x10240xi32, #tpu.memory_space<hbm>> -> memref<1x5120xi32, #tpu.memory_space<hbm>>
      %dma_wait3A_152 = tpu.memref_squeeze %dma_wait3A_151 : memref<1x5120xi32, #tpu.memory_space<hbm>> -> memref<5120xi32, #tpu.memory_space<hbm>>
      tpu.wait_dma2 semaphore(%run_scoped3A : memref<!tpu.dma_semaphore, #tpu.memory_space<semaphore_mem>>) src(%dma_wait3A_152 : memref<5120xi32, #tpu.memory_space<hbm>>) dst(%arg7 : memref<5120xi32, #tpu.memory_space<vmem>>)
      tpu.yield
    }) : () -> ()
    %dma_wait3A_68 = arith.constant 38 : i32
    %dma_wait3A_69 = arith.constant 0 : i32
    %dma_wait3A_70 = tpu.memref_slice %arg8[%dma_wait3A_68, %dma_wait3A_69] : memref<80x128xi32, #tpu.memory_space<vmem>> -> memref<1x128xi32, #tpu.memory_space<vmem>>
    %dma_wait3A_71 = tpu.memref_squeeze %dma_wait3A_70 : memref<1x128xi32, #tpu.memory_space<vmem>> -> memref<128xi32, #tpu.memory_space<vmem>>
    %dma_wait3A_72 = arith.constant 0 : i32
    %dma_wait3A_73 = arith.constant 0 : i32
    %dma_wait3A_74 = tpu.memref_slice %arg11[%dma_wait3A_72, %dma_wait3A_73] : memref<10240x128xf32, #tpu.memory_space<vmem_shared>> -> memref<10240x128xf32, #tpu.memory_space<vmem_shared>>
    tpu.wait_indirect_dma semaphore(%arg13 : memref<!tpu.dma_semaphore, #tpu.memory_space<semaphore_mem>>) src(%arg9 : memref<128x128xf32, #tpu.memory_space<vmem>>) dst(%dma_wait3A_74 : memref<10240x128xf32, #tpu.memory_space<vmem_shared>>)
    %dma_start3A_75 = arith.constant 0 : i32
    %dma_start3A_76 = tpu.memref_slice %arg7[%dma_start3A_75] : memref<5120xi32, #tpu.memory_space<vmem>> -> memref<128xi32, #tpu.memory_space<vmem>>
    %dma_start3A_77 = arith.constant 0 : i32
    %dma_start3A_78 = arith.constant 0 : i32
    %dma_start3A_79 = tpu.memref_slice %arg2[%dma_start3A_77, %dma_start3A_78] : memref<10000x128xf32, #tpu.memory_space<hbm>> -> memref<10000x128xf32, #tpu.memory_space<hbm>>
    tpu.enqueue_indirect_dma source(%dma_start3A_79 : memref<10000x128xf32, #tpu.memory_space<hbm>>) target(%arg9 : memref<128x128xf32, #tpu.memory_space<vmem>>) offsets(%dma_start3A_76 : memref<128xi32, #tpu.memory_space<vmem>>) semaphore(%arg12 : memref<!tpu.dma_semaphore, #tpu.memory_space<semaphore_mem>>)
    %dma_wait3A_80 = arith.constant 39 : i32
    %dma_wait3A_81 = arith.constant 0 : i32
    %dma_wait3A_82 = tpu.memref_slice %arg8[%dma_wait3A_80, %dma_wait3A_81] : memref<80x128xi32, #tpu.memory_space<vmem>> -> memref<1x128xi32, #tpu.memory_space<vmem>>
    %dma_wait3A_83 = tpu.memref_squeeze %dma_wait3A_82 : memref<1x128xi32, #tpu.memory_space<vmem>> -> memref<128xi32, #tpu.memory_space<vmem>>
    %dma_wait3A_84 = arith.constant 0 : i32
    %dma_wait3A_85 = arith.constant 0 : i32
    %dma_wait3A_86 = tpu.memref_slice %arg11[%dma_wait3A_84, %dma_wait3A_85] : memref<10240x128xf32, #tpu.memory_space<vmem_shared>> -> memref<10240x128xf32, #tpu.memory_space<vmem_shared>>
    tpu.wait_indirect_dma semaphore(%arg13 : memref<!tpu.dma_semaphore, #tpu.memory_space<semaphore_mem>>) src(%arg10 : memref<128x128xf32, #tpu.memory_space<vmem>>) dst(%dma_wait3A_86 : memref<10240x128xf32, #tpu.memory_space<vmem_shared>>)
    %dma_start3A_87 = arith.constant 128 : i32
    %dma_start3A_88 = tpu.memref_slice %arg7[%dma_start3A_87] : memref<5120xi32, #tpu.memory_space<vmem>> -> memref<128xi32, #tpu.memory_space<vmem>>
    %dma_start3A_89 = arith.constant 0 : i32
    %dma_start3A_90 = arith.constant 0 : i32
    %dma_start3A_91 = tpu.memref_slice %arg2[%dma_start3A_89, %dma_start3A_90] : memref<10000x128xf32, #tpu.memory_space<hbm>> -> memref<10000x128xf32, #tpu.memory_space<hbm>>
    tpu.enqueue_indirect_dma source(%dma_start3A_91 : memref<10000x128xf32, #tpu.memory_space<hbm>>) target(%arg10 : memref<128x128xf32, #tpu.memory_space<vmem>>) offsets(%dma_start3A_88 : memref<128xi32, #tpu.memory_space<vmem>>) semaphore(%arg12 : memref<!tpu.dma_semaphore, #tpu.memory_space<semaphore_mem>>)
    %scan3A_92 = arith.constant 0 : i32
    %scan3A_93 = arith.constant 0 : i32
    %scan3A_94 = arith.constant 19 : i32
    %scan3A_95 = arith.addi %scan3A_93, %scan3A_94 : i32
    %scan3A_96 = arith.constant 1 : i32
    scf.for %scan3A_141 = %scan3A_93 to %scan3A_95 step %scan3A_96  : i32 {
      %mul3A_142 = arith.constant 2 : i32
      %mul3A_143 = arith.muli %scan3A_141, %mul3A_142 : i32
      %mul3A_144 = arith.constant 128 : i32
      %mul3A_145 = arith.muli %mul3A_143, %mul3A_144 : i32
      %dma_wait3A_146 = tpu.memref_slice %arg7[%mul3A_145] : memref<5120xi32, #tpu.memory_space<vmem>> -> memref<128xi32, #tpu.memory_space<vmem>>
      %dma_wait3A_147 = arith.constant 0 : i32
      %dma_wait3A_148 = arith.constant 0 : i32
      %dma_wait3A_149 = tpu.memref_slice %arg2[%dma_wait3A_147, %dma_wait3A_148] : memref<10000x128xf32, #tpu.memory_space<hbm>> -> memref<10000x128xf32, #tpu.memory_space<hbm>>
      tpu.wait_indirect_dma semaphore(%arg12 : memref<!tpu.dma_semaphore, #tpu.memory_space<semaphore_mem>>) src(%dma_wait3A_149 : memref<10000x128xf32, #tpu.memory_space<hbm>>) dst(%arg9 : memref<128x128xf32, #tpu.memory_space<vmem>>)
      %add3A_150 = arith.constant 40 : i32
      %add3A_151 = arith.addi %add3A_150, %mul3A_143 : i32
      %dma_start3A_152 = arith.constant 0 : i32
      %dma_start3A_153 = tpu.memref_slice %arg8[%add3A_151, %dma_start3A_152] : memref<80x128xi32, #tpu.memory_space<vmem>> -> memref<1x128xi32, #tpu.memory_space<vmem>>
      %dma_start3A_154 = tpu.memref_squeeze %dma_start3A_153 : memref<1x128xi32, #tpu.memory_space<vmem>> -> memref<128xi32, #tpu.memory_space<vmem>>
      %dma_start3A_155 = arith.constant 0 : i32
      %dma_start3A_156 = arith.constant 0 : i32
      %dma_start3A_157 = tpu.memref_slice %arg11[%dma_start3A_155, %dma_start3A_156] : memref<10240x128xf32, #tpu.memory_space<vmem_shared>> -> memref<10240x128xf32, #tpu.memory_space<vmem_shared>>
      tpu.enqueue_indirect_dma source(%arg9 : memref<128x128xf32, #tpu.memory_space<vmem>>) target(%dma_start3A_157 : memref<10240x128xf32, #tpu.memory_space<vmem_shared>>) offsets(%dma_start3A_154 : memref<128xi32, #tpu.memory_space<vmem>>) semaphore(%arg13 : memref<!tpu.dma_semaphore, #tpu.memory_space<semaphore_mem>>) {add = true}
      %add3A_158 = arith.constant 1 : i32
      %add3A_159 = arith.addi %mul3A_143, %add3A_158 : i32
      %mul3A_160 = arith.constant 128 : i32
      %mul3A_161 = arith.muli %add3A_159, %mul3A_160 : i32
      %dma_wait3A_162 = tpu.memref_slice %arg7[%mul3A_161] : memref<5120xi32, #tpu.memory_space<vmem>> -> memref<128xi32, #tpu.memory_space<vmem>>
      %dma_wait3A_163 = arith.constant 0 : i32
      %dma_wait3A_164 = arith.constant 0 : i32
      %dma_wait3A_165 = tpu.memref_slice %arg2[%dma_wait3A_163, %dma_wait3A_164] : memref<10000x128xf32, #tpu.memory_space<hbm>> -> memref<10000x128xf32, #tpu.memory_space<hbm>>
      tpu.wait_indirect_dma semaphore(%arg12 : memref<!tpu.dma_semaphore, #tpu.memory_space<semaphore_mem>>) src(%dma_wait3A_165 : memref<10000x128xf32, #tpu.memory_space<hbm>>) dst(%arg10 : memref<128x128xf32, #tpu.memory_space<vmem>>)
      %add3A_166 = arith.constant 40 : i32
      %add3A_167 = arith.addi %add3A_166, %mul3A_143 : i32
      %add3A_168 = arith.constant 1 : i32
      %add3A_169 = arith.addi %add3A_167, %add3A_168 : i32
      %dma_start3A_170 = arith.constant 0 : i32
      %dma_start3A_171 = tpu.memref_slice %arg8[%add3A_169, %dma_start3A_170] : memref<80x128xi32, #tpu.memory_space<vmem>> -> memref<1x128xi32, #tpu.memory_space<vmem>>
      %dma_start3A_172 = tpu.memref_squeeze %dma_start3A_171 : memref<1x128xi32, #tpu.memory_space<vmem>> -> memref<128xi32, #tpu.memory_space<vmem>>
      %dma_start3A_173 = arith.constant 0 : i32
      %dma_start3A_174 = arith.constant 0 : i32
      %dma_start3A_175 = tpu.memref_slice %arg11[%dma_start3A_173, %dma_start3A_174] : memref<10240x128xf32, #tpu.memory_space<vmem_shared>> -> memref<10240x128xf32, #tpu.memory_space<vmem_shared>>
      tpu.enqueue_indirect_dma source(%arg10 : memref<128x128xf32, #tpu.memory_space<vmem>>) target(%dma_start3A_175 : memref<10240x128xf32, #tpu.memory_space<vmem_shared>>) offsets(%dma_start3A_172 : memref<128xi32, #tpu.memory_space<vmem>>) semaphore(%arg13 : memref<!tpu.dma_semaphore, #tpu.memory_space<semaphore_mem>>) {add = true}
      %add3A_176 = arith.constant 40 : i32
      %add3A_177 = arith.addi %add3A_176, %mul3A_143 : i32
      %dma_wait3A_178 = arith.constant 0 : i32
      %dma_wait3A_179 = tpu.memref_slice %arg8[%add3A_177, %dma_wait3A_178] : memref<80x128xi32, #tpu.memory_space<vmem>> -> memref<1x128xi32, #tpu.memory_space<vmem>>
      %dma_wait3A_180 = tpu.memref_squeeze %dma_wait3A_179 : memref<1x128xi32, #tpu.memory_space<vmem>> -> memref<128xi32, #tpu.memory_space<vmem>>
      %dma_wait3A_181 = arith.constant 0 : i32
      %dma_wait3A_182 = arith.constant 0 : i32
      %dma_wait3A_183 = tpu.memref_slice %arg11[%dma_wait3A_181, %dma_wait3A_182] : memref<10240x128xf32, #tpu.memory_space<vmem_shared>> -> memref<10240x128xf32, #tpu.memory_space<vmem_shared>>
      tpu.wait_indirect_dma semaphore(%arg13 : memref<!tpu.dma_semaphore, #tpu.memory_space<semaphore_mem>>) src(%arg9 : memref<128x128xf32, #tpu.memory_space<vmem>>) dst(%dma_wait3A_183 : memref<10240x128xf32, #tpu.memory_space<vmem_shared>>)
      %add3A_184 = arith.constant 2 : i32
      %add3A_185 = arith.addi %mul3A_143, %add3A_184 : i32
      %mul3A_186 = arith.constant 128 : i32
      %mul3A_187 = arith.muli %add3A_185, %mul3A_186 : i32
      %dma_start3A_188 = tpu.memref_slice %arg7[%mul3A_187] : memref<5120xi32, #tpu.memory_space<vmem>> -> memref<128xi32, #tpu.memory_space<vmem>>
      %dma_start3A_189 = arith.constant 0 : i32
      %dma_start3A_190 = arith.constant 0 : i32
      %dma_start3A_191 = tpu.memref_slice %arg2[%dma_start3A_189, %dma_start3A_190] : memref<10000x128xf32, #tpu.memory_space<hbm>> -> memref<10000x128xf32, #tpu.memory_space<hbm>>
      tpu.enqueue_indirect_dma source(%dma_start3A_191 : memref<10000x128xf32, #tpu.memory_space<hbm>>) target(%arg9 : memref<128x128xf32, #tpu.memory_space<vmem>>) offsets(%dma_start3A_188 : memref<128xi32, #tpu.memory_space<vmem>>) semaphore(%arg12 : memref<!tpu.dma_semaphore, #tpu.memory_space<semaphore_mem>>)
      %add3A_192 = arith.constant 40 : i32
      %add3A_193 = arith.addi %add3A_192, %mul3A_143 : i32
      %add3A_194 = arith.constant 1 : i32
      %add3A_195 = arith.addi %add3A_193, %add3A_194 : i32
      %dma_wait3A_196 = arith.constant 0 : i32
      %dma_wait3A_197 = tpu.memref_slice %arg8[%add3A_195, %dma_wait3A_196] : memref<80x128xi32, #tpu.memory_space<vmem>> -> memref<1x128xi32, #tpu.memory_space<vmem>>
      %dma_wait3A_198 = tpu.memref_squeeze %dma_wait3A_197 : memref<1x128xi32, #tpu.memory_space<vmem>> -> memref<128xi32, #tpu.memory_space<vmem>>
      %dma_wait3A_199 = arith.constant 0 : i32
      %dma_wait3A_200 = arith.constant 0 : i32
      %dma_wait3A_201 = tpu.memref_slice %arg11[%dma_wait3A_199, %dma_wait3A_200] : memref<10240x128xf32, #tpu.memory_space<vmem_shared>> -> memref<10240x128xf32, #tpu.memory_space<vmem_shared>>
      tpu.wait_indirect_dma semaphore(%arg13 : memref<!tpu.dma_semaphore, #tpu.memory_space<semaphore_mem>>) src(%arg10 : memref<128x128xf32, #tpu.memory_space<vmem>>) dst(%dma_wait3A_201 : memref<10240x128xf32, #tpu.memory_space<vmem_shared>>)
      %add3A_202 = arith.constant 3 : i32
      %add3A_203 = arith.addi %mul3A_143, %add3A_202 : i32
      %mul3A_204 = arith.constant 128 : i32
      %mul3A_205 = arith.muli %add3A_203, %mul3A_204 : i32
      %dma_start3A_206 = tpu.memref_slice %arg7[%mul3A_205] : memref<5120xi32, #tpu.memory_space<vmem>> -> memref<128xi32, #tpu.memory_space<vmem>>
      %dma_start3A_207 = arith.constant 0 : i32
      %dma_start3A_208 = arith.constant 0 : i32
      %dma_start3A_209 = tpu.memref_slice %arg2[%dma_start3A_207, %dma_start3A_208] : memref<10000x128xf32, #tpu.memory_space<hbm>> -> memref<10000x128xf32, #tpu.memory_space<hbm>>
      tpu.enqueue_indirect_dma source(%dma_start3A_209 : memref<10000x128xf32, #tpu.memory_space<hbm>>) target(%arg10 : memref<128x128xf32, #tpu.memory_space<vmem>>) offsets(%dma_start3A_206 : memref<128xi32, #tpu.memory_space<vmem>>) semaphore(%arg12 : memref<!tpu.dma_semaphore, #tpu.memory_space<semaphore_mem>>)
    }
    %scan3A_97 = arith.constant 19 : i32
    %dma_wait3A_98 = arith.constant 4864 : i32
    %dma_wait3A_99 = tpu.memref_slice %arg7[%dma_wait3A_98] : memref<5120xi32, #tpu.memory_space<vmem>> -> memref<128xi32, #tpu.memory_space<vmem>>
    %dma_wait3A_100 = arith.constant 0 : i32
    %dma_wait3A_101 = arith.constant 0 : i32
    %dma_wait3A_102 = tpu.memref_slice %arg2[%dma_wait3A_100, %dma_wait3A_101] : memref<10000x128xf32, #tpu.memory_space<hbm>> -> memref<10000x128xf32, #tpu.memory_space<hbm>>
    tpu.wait_indirect_dma semaphore(%arg12 : memref<!tpu.dma_semaphore, #tpu.memory_space<semaphore_mem>>) src(%dma_wait3A_102 : memref<10000x128xf32, #tpu.memory_space<hbm>>) dst(%arg9 : memref<128x128xf32, #tpu.memory_space<vmem>>)
    %dma_start3A_103 = arith.constant 78 : i32
    %dma_start3A_104 = arith.constant 0 : i32
    %dma_start3A_105 = tpu.memref_slice %arg8[%dma_start3A_103, %dma_start3A_104] : memref<80x128xi32, #tpu.memory_space<vmem>> -> memref<1x128xi32, #tpu.memory_space<vmem>>
    %dma_start3A_106 = tpu.memref_squeeze %dma_start3A_105 : memref<1x128xi32, #tpu.memory_space<vmem>> -> memref<128xi32, #tpu.memory_space<vmem>>
    %dma_start3A_107 = arith.constant 0 : i32
    %dma_start3A_108 = arith.constant 0 : i32
    %dma_start3A_109 = tpu.memref_slice %arg11[%dma_start3A_107, %dma_start3A_108] : memref<10240x128xf32, #tpu.memory_space<vmem_shared>> -> memref<10240x128xf32, #tpu.memory_space<vmem_shared>>
    tpu.enqueue_indirect_dma source(%arg9 : memref<128x128xf32, #tpu.memory_space<vmem>>) target(%dma_start3A_109 : memref<10240x128xf32, #tpu.memory_space<vmem_shared>>) offsets(%dma_start3A_106 : memref<128xi32, #tpu.memory_space<vmem>>) semaphore(%arg13 : memref<!tpu.dma_semaphore, #tpu.memory_space<semaphore_mem>>) {add = true}
    %dma_wait3A_110 = arith.constant 4992 : i32
    %dma_wait3A_111 = tpu.memref_slice %arg7[%dma_wait3A_110] : memref<5120xi32, #tpu.memory_space<vmem>> -> memref<128xi32, #tpu.memory_space<vmem>>
    %dma_wait3A_112 = arith.constant 0 : i32
    %dma_wait3A_113 = arith.constant 0 : i32
    %dma_wait3A_114 = tpu.memref_slice %arg2[%dma_wait3A_112, %dma_wait3A_113] : memref<10000x128xf32, #tpu.memory_space<hbm>> -> memref<10000x128xf32, #tpu.memory_space<hbm>>
    tpu.wait_indirect_dma semaphore(%arg12 : memref<!tpu.dma_semaphore, #tpu.memory_space<semaphore_mem>>) src(%dma_wait3A_114 : memref<10000x128xf32, #tpu.memory_space<hbm>>) dst(%arg10 : memref<128x128xf32, #tpu.memory_space<vmem>>)
    %dma_start3A_115 = arith.constant 79 : i32
    %dma_start3A_116 = arith.constant 0 : i32
    %dma_start3A_117 = tpu.memref_slice %arg8[%dma_start3A_115, %dma_start3A_116] : memref<80x128xi32, #tpu.memory_space<vmem>> -> memref<1x128xi32, #tpu.memory_space<vmem>>
    %dma_start3A_118 = tpu.memref_squeeze %dma_start3A_117 : memref<1x128xi32, #tpu.memory_space<vmem>> -> memref<128xi32, #tpu.memory_space<vmem>>
    %dma_start3A_119 = arith.constant 0 : i32
    %dma_start3A_120 = arith.constant 0 : i32
    %dma_start3A_121 = tpu.memref_slice %arg11[%dma_start3A_119, %dma_start3A_120] : memref<10240x128xf32, #tpu.memory_space<vmem_shared>> -> memref<10240x128xf32, #tpu.memory_space<vmem_shared>>
    tpu.enqueue_indirect_dma source(%arg10 : memref<128x128xf32, #tpu.memory_space<vmem>>) target(%dma_start3A_121 : memref<10240x128xf32, #tpu.memory_space<vmem_shared>>) offsets(%dma_start3A_118 : memref<128xi32, #tpu.memory_space<vmem>>) semaphore(%arg13 : memref<!tpu.dma_semaphore, #tpu.memory_space<semaphore_mem>>) {add = true}
    %dma_wait3A_122 = arith.constant 78 : i32
    %dma_wait3A_123 = arith.constant 0 : i32
    %dma_wait3A_124 = tpu.memref_slice %arg8[%dma_wait3A_122, %dma_wait3A_123] : memref<80x128xi32, #tpu.memory_space<vmem>> -> memref<1x128xi32, #tpu.memory_space<vmem>>
    %dma_wait3A_125 = tpu.memref_squeeze %dma_wait3A_124 : memref<1x128xi32, #tpu.memory_space<vmem>> -> memref<128xi32, #tpu.memory_space<vmem>>
    %dma_wait3A_126 = arith.constant 0 : i32
    %dma_wait3A_127 = arith.constant 0 : i32
    %dma_wait3A_128 = tpu.memref_slice %arg11[%dma_wait3A_126, %dma_wait3A_127] : memref<10240x128xf32, #tpu.memory_space<vmem_shared>> -> memref<10240x128xf32, #tpu.memory_space<vmem_shared>>
    tpu.wait_indirect_dma semaphore(%arg13 : memref<!tpu.dma_semaphore, #tpu.memory_space<semaphore_mem>>) src(%arg9 : memref<128x128xf32, #tpu.memory_space<vmem>>) dst(%dma_wait3A_128 : memref<10240x128xf32, #tpu.memory_space<vmem_shared>>)
    %dma_wait3A_129 = arith.constant 79 : i32
    %dma_wait3A_130 = arith.constant 0 : i32
    %dma_wait3A_131 = tpu.memref_slice %arg8[%dma_wait3A_129, %dma_wait3A_130] : memref<80x128xi32, #tpu.memory_space<vmem>> -> memref<1x128xi32, #tpu.memory_space<vmem>>
    %dma_wait3A_132 = tpu.memref_squeeze %dma_wait3A_131 : memref<1x128xi32, #tpu.memory_space<vmem>> -> memref<128xi32, #tpu.memory_space<vmem>>
    %dma_wait3A_133 = arith.constant 0 : i32
    %dma_wait3A_134 = arith.constant 0 : i32
    %dma_wait3A_135 = tpu.memref_slice %arg11[%dma_wait3A_133, %dma_wait3A_134] : memref<10240x128xf32, #tpu.memory_space<vmem_shared>> -> memref<10240x128xf32, #tpu.memory_space<vmem_shared>>
    tpu.wait_indirect_dma semaphore(%arg13 : memref<!tpu.dma_semaphore, #tpu.memory_space<semaphore_mem>>) src(%arg10 : memref<128x128xf32, #tpu.memory_space<vmem>>) dst(%dma_wait3A_135 : memref<10240x128xf32, #tpu.memory_space<vmem_shared>>)
    %barrier3A_136 = arith.constant 0 : index
    tpu.barrier barrier_id(%barrier3A_136)
    %mul3A_137 = arith.constant 640 : i32
    %mul3A_138 = arith.muli %arg1, %mul3A_137 : i32
    %mul3A_139 = arith.constant 640 : i32
    %mul3A_140 = arith.muli %arg1, %mul3A_139 : i32
    "tpu.region"() ({
      %run_scoped3A = tpu.sem_alloc : memref<!tpu.dma_semaphore, #tpu.memory_space<semaphore_mem>>
      %dma_start3A_141 = arith.constant 0 : i32
      %dma_start3A_142 = tpu.memref_slice %arg6[%arg0, %mul3A_140, %dma_start3A_141] : memref<2x10240x128xf32, #tpu.memory_space<hbm>> -> memref<1x640x128xf32, #tpu.memory_space<hbm>>
      %dma_start3A_143 = tpu.memref_squeeze %dma_start3A_142 : memref<1x640x128xf32, #tpu.memory_space<hbm>> -> memref<640x128xf32, #tpu.memory_space<hbm>>
      %dma_start3A_144 = arith.constant 0 : i32
      %dma_start3A_145 = tpu.memref_slice %arg11[%mul3A_138, %dma_start3A_144] : memref<10240x128xf32, #tpu.memory_space<vmem_shared>> -> memref<640x128xf32, #tpu.memory_space<vmem_shared>>
      tpu.enqueue_dma source(%dma_start3A_145 : memref<640x128xf32, #tpu.memory_space<vmem_shared>>) target(%dma_start3A_143 : memref<640x128xf32, #tpu.memory_space<hbm>>) target_semaphore(%run_scoped3A : memref<!tpu.dma_semaphore, #tpu.memory_space<semaphore_mem>>)
      %dma_wait3A_146 = arith.constant 0 : i32
      %dma_wait3A_147 = tpu.memref_slice %arg6[%arg0, %mul3A_140, %dma_wait3A_146] : memref<2x10240x128xf32, #tpu.memory_space<hbm>> -> memref<1x640x128xf32, #tpu.memory_space<hbm>>
      %dma_wait3A_148 = tpu.memref_squeeze %dma_wait3A_147 : memref<1x640x128xf32, #tpu.memory_space<hbm>> -> memref<640x128xf32, #tpu.memory_space<hbm>>
      %dma_wait3A_149 = arith.constant 0 : i32
      %dma_wait3A_150 = tpu.memref_slice %arg11[%mul3A_138, %dma_wait3A_149] : memref<10240x128xf32, #tpu.memory_space<vmem_shared>> -> memref<640x128xf32, #tpu.memory_space<vmem_shared>>
      tpu.wait_dma2 semaphore(%run_scoped3A : memref<!tpu.dma_semaphore, #tpu.memory_space<semaphore_mem>>) src(%dma_wait3A_150 : memref<640x128xf32, #tpu.memory_space<vmem_shared>>) dst(%dma_wait3A_148 : memref<640x128xf32, #tpu.memory_space<hbm>>)
      tpu.yield
    }) : () -> ()
    return
  }
}

module attributes {stable_mosaic.version = 14 : i64} {
  func.func @_deg_body(%arg0: i32, %arg1: memref<2x5000x128xf32, #tpu.memory_space<vmem>>, %arg2: memref<5000x128xf32, #tpu.memory_space<vmem>>, %arg3: memref<5000x1xf32, #tpu.memory_space<vmem>>, %arg4: memref<5000x128xf32, #tpu.memory_space<vmem>>) attributes {dimension_semantics = [#tpu.dimension_semantics<arbitrary>], iteration_bounds = array<i64: 2>, scalar_prefetch = 0 : i64, scratch_operands = 0 : i64, tpu.core_type = #tpu.core_type<tc>, window_params = [{transform_indices = @transform_0, window_bounds = array<i64: 2, 5000, 128>}, {transform_indices = @transform_1, window_bounds = array<i64: 5000, 128>}, {transform_indices = @transform_2, window_bounds = array<i64: 5000, 1>}, {transform_indices = @transform_3, window_bounds = array<i64: 5000, 128>}]} {
    %get3A = arith.constant 0 : index
    %get3A_0 = arith.constant 0 : index
    %get3A_1 = arith.constant 0 : index
    %get3A_2 = vector.load %arg1[%get3A, %get3A_0, %get3A_1] : memref<2x5000x128xf32, #tpu.memory_space<vmem>>, vector<1x5000x1xf32>
    %get3A_3 = vector.shape_cast %get3A_2 : vector<1x5000x1xf32> to vector<5000x1xf32>
    %get3A_4 = arith.constant 1 : index
    %get3A_5 = arith.constant 0 : index
    %get3A_6 = arith.constant 0 : index
    %get3A_7 = vector.load %arg1[%get3A_4, %get3A_5, %get3A_6] : memref<2x5000x128xf32, #tpu.memory_space<vmem>>, vector<1x5000x1xf32>
    %get3A_8 = vector.shape_cast %get3A_7 : vector<1x5000x1xf32> to vector<5000x1xf32>
    %add3A = arith.addf %get3A_3, %get3A_8 : vector<5000x1xf32>
    %gt3A = arith.constant 0.000000e+00 : f32
    %gt3A_9 = vector.broadcast %gt3A : f32 to vector<5000x1xf32>
    %gt3A_10 = arith.cmpf ogt, %add3A, %gt3A_9 : vector<5000x1xf32>
    %max3A = arith.constant 9.99999996E-13 : f32
    %max3A_11 = vector.broadcast %max3A : f32 to vector<5000x1xf32>
    %max3A_12 = arith.maximumf %add3A, %max3A_11 : vector<5000x1xf32>
    %sqrt3A = math.sqrt %max3A_12 : vector<5000x1xf32>
    %div3A = arith.constant 1.000000e+00 : f32
    %div3A_13 = vector.broadcast %div3A : f32 to vector<5000x1xf32>
    %div3A_14 = arith.divf %div3A_13, %sqrt3A : vector<5000x1xf32>
    %jit3A = arith.constant 0.000000e+00 : f32
    %broadcast_in_dim3A = vector.broadcast %jit3A : f32 to vector<5000x1xf32>
    %select_n3A = arith.select %gt3A_10, %div3A_14, %broadcast_in_dim3A : vector<5000x1xi1>, vector<5000x1xf32>
    %swap3A = arith.constant 0 : index
    %swap3A_15 = arith.constant 0 : index
    %swap3A_16 = vector.load %arg3[%swap3A, %swap3A_15] : memref<5000x1xf32, #tpu.memory_space<vmem>>, vector<5000x1xf32>
    tpu.vector_store %arg3[%swap3A, %swap3A_15], %select_n3A {strides = array<i32>} : memref<5000x1xf32, #tpu.memory_space<vmem>>, vector<5000x1xf32>,
    %get3A_17 = arith.constant 0 : index
    %get3A_18 = arith.constant 0 : index
    %get3A_19 = vector.load %arg2[%get3A_17, %get3A_18] : memref<5000x128xf32, #tpu.memory_space<vmem>>, vector<5000x128xf32>
    %mul3A = vector.broadcast %select_n3A : vector<5000x1xf32> to vector<5000x128xf32>
    %mul3A_20 = arith.mulf %mul3A, %get3A_19 : vector<5000x128xf32>
    %swap3A_21 = arith.constant 0 : index
    %swap3A_22 = arith.constant 0 : index
    %swap3A_23 = vector.load %arg4[%swap3A_21, %swap3A_22] : memref<5000x128xf32, #tpu.memory_space<vmem>>, vector<5000x128xf32>
    tpu.vector_store %arg4[%swap3A_21, %swap3A_22], %mul3A_20 {strides = array<i32>} : memref<5000x128xf32, #tpu.memory_space<vmem>>, vector<5000x128xf32>,
    return
  }
  func.func @transform_0(%arg0: i32) -> (i32, i32, i32) {
    %c0_i32 = arith.constant 0 : i32
    %c0_i32_0 = arith.constant 0 : i32
    %c0_i32_1 = arith.constant 0 : i32
    return %c0_i32, %arg0, %c0_i32_0 : i32, i32, i32
  }
  func.func @transform_1(%arg0: i32) -> (i32, i32) {
    %c0_i32 = arith.constant 0 : i32
    %c0_i32_0 = arith.constant 0 : i32
    return %arg0, %c0_i32 : i32, i32
  }
  func.func @transform_2(%arg0: i32) -> (i32, i32) {
    %c0_i32 = arith.constant 0 : i32
    %c0_i32_0 = arith.constant 0 : i32
    return %arg0, %c0_i32 : i32, i32
  }
  func.func @transform_3(%arg0: i32) -> (i32, i32) {
    %c0_i32 = arith.constant 0 : i32
    %c0_i32_0 = arith.constant 0 : i32
    return %arg0, %c0_i32 : i32, i32
  }
}

module attributes {stable_mosaic.version = 14 : i64} {
  func.func @_mid_a_body(%arg0: i32, %arg1: memref<2x5000x128xf32, #tpu.memory_space<vmem>>, %arg2: memref<5000x128xf32, #tpu.memory_space<vmem>>, %arg3: memref<5000x1xf32, #tpu.memory_space<vmem>>, %arg4: memref<3x128x128xf32, #tpu.memory_space<vmem>>, %arg5: memref<1x128xf32, #tpu.memory_space<vmem>>, %arg6: memref<5000x128xf32, #tpu.memory_space<vmem>>, %arg7: memref<5000x128xf32, #tpu.memory_space<vmem>>) attributes {dimension_semantics = [#tpu.dimension_semantics<arbitrary>], iteration_bounds = array<i64: 2>, scalar_prefetch = 0 : i64, scratch_operands = 0 : i64, tpu.core_type = #tpu.core_type<tc>, window_params = [{transform_indices = @transform_0, window_bounds = array<i64: 2, 5000, 128>}, {transform_indices = @transform_1, window_bounds = array<i64: 5000, 128>}, {transform_indices = @transform_2, window_bounds = array<i64: 5000, 1>}, {pipeline_mode = #tpu.pipeline_mode<synchronous>, transform_indices = @transform_3, window_bounds = array<i64: 3, 128, 128>}, {pipeline_mode = #tpu.pipeline_mode<synchronous>, transform_indices = @transform_4, window_bounds = array<i64: 1, 128>}, {transform_indices = @transform_5, window_bounds = array<i64: 5000, 128>}, {transform_indices = @transform_6, window_bounds = array<i64: 5000, 128>}]} {
    %get3A = arith.constant 0 : index
    %get3A_0 = arith.constant 0 : index
    %get3A_1 = arith.constant 0 : index
    %get3A_2 = vector.load %arg1[%get3A, %get3A_0, %get3A_1] : memref<2x5000x128xf32, #tpu.memory_space<vmem>>, vector<1x5000x128xf32>
    %get3A_3 = vector.shape_cast %get3A_2 : vector<1x5000x128xf32> to vector<5000x128xf32>
    %get3A_4 = arith.constant 1 : index
    %get3A_5 = arith.constant 0 : index
    %get3A_6 = arith.constant 0 : index
    %get3A_7 = vector.load %arg1[%get3A_4, %get3A_5, %get3A_6] : memref<2x5000x128xf32, #tpu.memory_space<vmem>>, vector<1x5000x128xf32>
    %get3A_8 = vector.shape_cast %get3A_7 : vector<1x5000x128xf32> to vector<5000x128xf32>
    %add3A = arith.addf %get3A_3, %get3A_8 : vector<5000x128xf32>
    %get3A_9 = arith.constant 0 : index
    %get3A_10 = arith.constant 0 : index
    %get3A_11 = vector.load %arg3[%get3A_9, %get3A_10] : memref<5000x1xf32, #tpu.memory_space<vmem>>, vector<5000x1xf32>
    %neg3A = arith.constant 0.000000e+00 : f32
    %neg3A_12 = vector.broadcast %neg3A : f32 to vector<5000x1xf32>
    %neg3A_13 = arith.subf %neg3A_12, %get3A_11 : vector<5000x1xf32>
    %mul3A = vector.broadcast %neg3A_13 : vector<5000x1xf32> to vector<5000x128xf32>
    %mul3A_14 = arith.mulf %mul3A, %add3A : vector<5000x128xf32>
    %mul3A_15 = vector.broadcast %get3A_11 : vector<5000x1xf32> to vector<5000x128xf32>
    %mul3A_16 = arith.mulf %mul3A_15, %mul3A_14 : vector<5000x128xf32>
    %swap3A = arith.constant 0 : index
    %swap3A_17 = arith.constant 0 : index
    %swap3A_18 = vector.load %arg6[%swap3A, %swap3A_17] : memref<5000x128xf32, #tpu.memory_space<vmem>>, vector<5000x128xf32>
    tpu.vector_store %arg6[%swap3A, %swap3A_17], %mul3A_16 {strides = array<i32>} : memref<5000x128xf32, #tpu.memory_space<vmem>>, vector<5000x128xf32>,
    %get3A_19 = arith.constant 0 : index
    %get3A_20 = arith.constant 0 : index
    %get3A_21 = arith.constant 0 : index
    %get3A_22 = vector.load %arg4[%get3A_19, %get3A_20, %get3A_21] : memref<3x128x128xf32, #tpu.memory_space<vmem>>, vector<1x128x128xf32>
    %get3A_23 = vector.shape_cast %get3A_22 : vector<1x128x128xf32> to vector<128x128xf32>
    %get3A_24 = arith.constant 2 : index
    %get3A_25 = arith.constant 0 : index
    %get3A_26 = arith.constant 0 : index
    %get3A_27 = vector.load %arg4[%get3A_24, %get3A_25, %get3A_26] : memref<3x128x128xf32, #tpu.memory_space<vmem>>, vector<1x128x128xf32>
    %get3A_28 = vector.shape_cast %get3A_27 : vector<1x128x128xf32> to vector<128x128xf32>
    %sub3A = arith.subf %get3A_23, %get3A_28 : vector<128x128xf32>
    %get3A_29 = arith.constant 0 : index
    %get3A_30 = arith.constant 0 : index
    %get3A_31 = vector.load %arg2[%get3A_29, %get3A_30] : memref<5000x128xf32, #tpu.memory_space<vmem>>, vector<5000x128xf32>
    %dot_general3A = arith.constant dense<0.000000e+00> : vector<5000x128xf32>
    %dot_general3A_32 = tpu.matmul %get3A_31, %sub3A, %dot_general3A {dimension_numbers = #tpu.dot_dimension_numbers<[1], [0], [0], [1], [0, 0, 1, 1], [], []>, transpose_lhs_hint = false} : vector<5000x128xf32>, vector<128x128xf32>, vector<5000x128xf32> -> vector<5000x128xf32>
    %get3A_33 = arith.constant 1 : index
    %get3A_34 = arith.constant 0 : index
    %get3A_35 = arith.constant 0 : index
    %get3A_36 = vector.load %arg4[%get3A_33, %get3A_34, %get3A_35] : memref<3x128x128xf32, #tpu.memory_space<vmem>>, vector<1x128x128xf32>
    %get3A_37 = vector.shape_cast %get3A_36 : vector<1x128x128xf32> to vector<128x128xf32>
    %dot_general3A_38 = arith.constant dense<0.000000e+00> : vector<5000x128xf32>
    %dot_general3A_39 = tpu.matmul %mul3A_14, %get3A_37, %dot_general3A_38 {dimension_numbers = #tpu.dot_dimension_numbers<[1], [0], [0], [1], [0, 0, 1, 1], [], []>, transpose_lhs_hint = false} : vector<5000x128xf32>, vector<128x128xf32>, vector<5000x128xf32> -> vector<5000x128xf32>
    %add3A_40 = arith.addf %dot_general3A_32, %dot_general3A_39 : vector<5000x128xf32>
    %get3A_41 = arith.constant 0 : index
    %get3A_42 = arith.constant 0 : index
    %get3A_43 = vector.load %arg5[%get3A_41, %get3A_42] : memref<1x128xf32, #tpu.memory_space<vmem>>, vector<1x128xf32>
    %add3A_44 = vector.broadcast %get3A_43 : vector<1x128xf32> to vector<5000x128xf32>
    %add3A_45 = arith.addf %add3A_40, %add3A_44 : vector<5000x128xf32>
    %swap3A_46 = arith.constant 0 : index
    %swap3A_47 = arith.constant 0 : index
    %swap3A_48 = vector.load %arg7[%swap3A_46, %swap3A_47] : memref<5000x128xf32, #tpu.memory_space<vmem>>, vector<5000x128xf32>
    tpu.vector_store %arg7[%swap3A_46, %swap3A_47], %add3A_45 {strides = array<i32>} : memref<5000x128xf32, #tpu.memory_space<vmem>>, vector<5000x128xf32>,
    return
  }
  func.func @transform_0(%arg0: i32) -> (i32, i32, i32) {
    %c0_i32 = arith.constant 0 : i32
    %c0_i32_0 = arith.constant 0 : i32
    %c0_i32_1 = arith.constant 0 : i32
    return %c0_i32, %arg0, %c0_i32_0 : i32, i32, i32
  }
  func.func @transform_1(%arg0: i32) -> (i32, i32) {
    %c0_i32 = arith.constant 0 : i32
    %c0_i32_0 = arith.constant 0 : i32
    return %arg0, %c0_i32 : i32, i32
  }
  func.func @transform_2(%arg0: i32) -> (i32, i32) {
    %c0_i32 = arith.constant 0 : i32
    %c0_i32_0 = arith.constant 0 : i32
    return %arg0, %c0_i32 : i32, i32
  }
  func.func @transform_3(%arg0: i32) -> (i32, i32, i32) {
    %c0_i32 = arith.constant 0 : i32
    %c0_i32_0 = arith.constant 0 : i32
    %c0_i32_1 = arith.constant 0 : i32
    %c0_i32_2 = arith.constant 0 : i32
    return %c0_i32, %c0_i32_0, %c0_i32_1 : i32, i32, i32
  }
  func.func @transform_4(%arg0: i32) -> (i32, i32) {
    %c0_i32 = arith.constant 0 : i32
    %c0_i32_0 = arith.constant 0 : i32
    %c0_i32_1 = arith.constant 0 : i32
    return %c0_i32, %c0_i32_0 : i32, i32
  }
  func.func @transform_5(%arg0: i32) -> (i32, i32) {
    %c0_i32 = arith.constant 0 : i32
    %c0_i32_0 = arith.constant 0 : i32
    return %arg0, %c0_i32 : i32, i32
  }
  func.func @transform_6(%arg0: i32) -> (i32, i32) {
    %c0_i32 = arith.constant 0 : i32
    %c0_i32_0 = arith.constant 0 : i32
    return %arg0, %c0_i32 : i32, i32
  }
}

module attributes {stable_mosaic.version = 14 : i64} {
  func.func @_mid_b_body(%arg0: i32, %arg1: memref<2x5000x128xf32, #tpu.memory_space<vmem>>, %arg2: memref<5000x128xf32, #tpu.memory_space<vmem>>, %arg3: memref<5000x1xf32, #tpu.memory_space<vmem>>, %arg4: memref<3x128x128xf32, #tpu.memory_space<vmem>>, %arg5: memref<1x128xf32, #tpu.memory_space<vmem>>, %arg6: memref<5000x128xf32, #tpu.memory_space<vmem>>, %arg7: memref<5000x128xf32, #tpu.memory_space<vmem>>) attributes {dimension_semantics = [#tpu.dimension_semantics<arbitrary>], iteration_bounds = array<i64: 2>, scalar_prefetch = 0 : i64, scratch_operands = 0 : i64, tpu.core_type = #tpu.core_type<tc>, window_params = [{transform_indices = @transform_0, window_bounds = array<i64: 2, 5000, 128>}, {transform_indices = @transform_1, window_bounds = array<i64: 5000, 128>}, {transform_indices = @transform_2, window_bounds = array<i64: 5000, 1>}, {pipeline_mode = #tpu.pipeline_mode<synchronous>, transform_indices = @transform_3, window_bounds = array<i64: 3, 128, 128>}, {pipeline_mode = #tpu.pipeline_mode<synchronous>, transform_indices = @transform_4, window_bounds = array<i64: 1, 128>}, {transform_indices = @transform_5, window_bounds = array<i64: 5000, 128>}, {transform_indices = @transform_6, window_bounds = array<i64: 5000, 128>}]} {
    %get3A = arith.constant 0 : index
    %get3A_0 = arith.constant 0 : index
    %get3A_1 = arith.constant 0 : index
    %get3A_2 = vector.load %arg1[%get3A, %get3A_0, %get3A_1] : memref<2x5000x128xf32, #tpu.memory_space<vmem>>, vector<1x5000x128xf32>
    %get3A_3 = vector.shape_cast %get3A_2 : vector<1x5000x128xf32> to vector<5000x128xf32>
    %get3A_4 = arith.constant 1 : index
    %get3A_5 = arith.constant 0 : index
    %get3A_6 = arith.constant 0 : index
    %get3A_7 = vector.load %arg1[%get3A_4, %get3A_5, %get3A_6] : memref<2x5000x128xf32, #tpu.memory_space<vmem>>, vector<1x5000x128xf32>
    %get3A_8 = vector.shape_cast %get3A_7 : vector<1x5000x128xf32> to vector<5000x128xf32>
    %add3A = arith.addf %get3A_3, %get3A_8 : vector<5000x128xf32>
    %get3A_9 = arith.constant 0 : index
    %get3A_10 = arith.constant 0 : index
    %get3A_11 = vector.load %arg3[%get3A_9, %get3A_10] : memref<5000x1xf32, #tpu.memory_space<vmem>>, vector<5000x1xf32>
    %mul3A = vector.broadcast %get3A_11 : vector<5000x1xf32> to vector<5000x128xf32>
    %mul3A_12 = arith.mulf %mul3A, %add3A : vector<5000x128xf32>
    %get3A_13 = arith.constant 0 : index
    %get3A_14 = arith.constant 0 : index
    %get3A_15 = vector.load %arg2[%get3A_13, %get3A_14] : memref<5000x128xf32, #tpu.memory_space<vmem>>, vector<5000x128xf32>
    %get3A_16 = arith.constant 2 : index
    %get3A_17 = arith.constant 0 : index
    %get3A_18 = arith.constant 0 : index
    %get3A_19 = vector.load %arg4[%get3A_16, %get3A_17, %get3A_18] : memref<3x128x128xf32, #tpu.memory_space<vmem>>, vector<1x128x128xf32>
    %get3A_20 = vector.shape_cast %get3A_19 : vector<1x128x128xf32> to vector<128x128xf32>
    %dot_general3A = arith.constant dense<0.000000e+00> : vector<5000x128xf32>
    %dot_general3A_21 = tpu.matmul %mul3A_12, %get3A_20, %dot_general3A {dimension_numbers = #tpu.dot_dimension_numbers<[1], [0], [0], [1], [0, 0, 1, 1], [], []>, transpose_lhs_hint = false} : vector<5000x128xf32>, vector<128x128xf32>, vector<5000x128xf32> -> vector<5000x128xf32>
    %mul3A_22 = arith.constant 2.000000e+00 : f32
    %mul3A_23 = vector.broadcast %mul3A_22 : f32 to vector<5000x128xf32>
    %mul3A_24 = arith.mulf %mul3A_23, %dot_general3A_21 : vector<5000x128xf32>
    %sub3A = arith.subf %get3A_15, %mul3A_24 : vector<5000x128xf32>
    %ge3A = arith.constant 0.000000e+00 : f32
    %ge3A_25 = vector.broadcast %ge3A : f32 to vector<5000x128xf32>
    %ge3A_26 = arith.cmpf oge, %sub3A, %ge3A_25 : vector<5000x128xf32>
    %get3A_27 = arith.constant 0 : index
    %get3A_28 = arith.constant 0 : index
    %get3A_29 = vector.load %arg5[%get3A_27, %get3A_28] : memref<1x128xf32, #tpu.memory_space<vmem>>, vector<1x128xf32>
    %mul3A_30 = vector.broadcast %get3A_29 : vector<1x128xf32> to vector<5000x128xf32>
    %mul3A_31 = arith.mulf %mul3A_30, %sub3A : vector<5000x128xf32>
    %select_n3A = arith.select %ge3A_26, %sub3A, %mul3A_31 : vector<5000x128xi1>, vector<5000x128xf32>
    %swap3A = arith.constant 0 : index
    %swap3A_32 = arith.constant 0 : index
    %swap3A_33 = vector.load %arg6[%swap3A, %swap3A_32] : memref<5000x128xf32, #tpu.memory_space<vmem>>, vector<5000x128xf32>
    tpu.vector_store %arg6[%swap3A, %swap3A_32], %select_n3A {strides = array<i32>} : memref<5000x128xf32, #tpu.memory_space<vmem>>, vector<5000x128xf32>,
    %mul3A_34 = vector.broadcast %get3A_11 : vector<5000x1xf32> to vector<5000x128xf32>
    %mul3A_35 = arith.mulf %mul3A_34, %select_n3A : vector<5000x128xf32>
    %swap3A_36 = arith.constant 0 : index
    %swap3A_37 = arith.constant 0 : index
    %swap3A_38 = vector.load %arg7[%swap3A_36, %swap3A_37] : memref<5000x128xf32, #tpu.memory_space<vmem>>, vector<5000x128xf32>
    tpu.vector_store %arg7[%swap3A_36, %swap3A_37], %mul3A_35 {strides = array<i32>} : memref<5000x128xf32, #tpu.memory_space<vmem>>, vector<5000x128xf32>,
    return
  }
  func.func @transform_0(%arg0: i32) -> (i32, i32, i32) {
    %c0_i32 = arith.constant 0 : i32
    %c0_i32_0 = arith.constant 0 : i32
    %c0_i32_1 = arith.constant 0 : i32
    return %c0_i32, %arg0, %c0_i32_0 : i32, i32, i32
  }
  func.func @transform_1(%arg0: i32) -> (i32, i32) {
    %c0_i32 = arith.constant 0 : i32
    %c0_i32_0 = arith.constant 0 : i32
    return %arg0, %c0_i32 : i32, i32
  }
  func.func @transform_2(%arg0: i32) -> (i32, i32) {
    %c0_i32 = arith.constant 0 : i32
    %c0_i32_0 = arith.constant 0 : i32
    return %arg0, %c0_i32 : i32, i32
  }
  func.func @transform_3(%arg0: i32) -> (i32, i32, i32) {
    %c0_i32 = arith.constant 0 : i32
    %c0_i32_0 = arith.constant 0 : i32
    %c0_i32_1 = arith.constant 0 : i32
    %c0_i32_2 = arith.constant 0 : i32
    return %c0_i32, %c0_i32_0, %c0_i32_1 : i32, i32, i32
  }
  func.func @transform_4(%arg0: i32) -> (i32, i32) {
    %c0_i32 = arith.constant 0 : i32
    %c0_i32_0 = arith.constant 0 : i32
    %c0_i32_1 = arith.constant 0 : i32
    return %c0_i32, %c0_i32_0 : i32, i32
  }
  func.func @transform_5(%arg0: i32) -> (i32, i32) {
    %c0_i32 = arith.constant 0 : i32
    %c0_i32_0 = arith.constant 0 : i32
    return %arg0, %c0_i32 : i32, i32
  }
  func.func @transform_6(%arg0: i32) -> (i32, i32) {
    %c0_i32 = arith.constant 0 : i32
    %c0_i32_0 = arith.constant 0 : i32
    return %arg0, %c0_i32 : i32, i32
  }
}

module attributes {stable_mosaic.version = 14 : i64} {
  func.func @_mid_a_body(%arg0: i32, %arg1: memref<2x5000x128xf32, #tpu.memory_space<vmem>>, %arg2: memref<5000x128xf32, #tpu.memory_space<vmem>>, %arg3: memref<5000x1xf32, #tpu.memory_space<vmem>>, %arg4: memref<3x128x128xf32, #tpu.memory_space<vmem>>, %arg5: memref<1x128xf32, #tpu.memory_space<vmem>>, %arg6: memref<5000x128xf32, #tpu.memory_space<vmem>>, %arg7: memref<5000x128xf32, #tpu.memory_space<vmem>>) attributes {dimension_semantics = [#tpu.dimension_semantics<arbitrary>], iteration_bounds = array<i64: 2>, scalar_prefetch = 0 : i64, scratch_operands = 0 : i64, tpu.core_type = #tpu.core_type<tc>, window_params = [{transform_indices = @transform_0, window_bounds = array<i64: 2, 5000, 128>}, {transform_indices = @transform_1, window_bounds = array<i64: 5000, 128>}, {transform_indices = @transform_2, window_bounds = array<i64: 5000, 1>}, {pipeline_mode = #tpu.pipeline_mode<synchronous>, transform_indices = @transform_3, window_bounds = array<i64: 3, 128, 128>}, {pipeline_mode = #tpu.pipeline_mode<synchronous>, transform_indices = @transform_4, window_bounds = array<i64: 1, 128>}, {transform_indices = @transform_5, window_bounds = array<i64: 5000, 128>}, {transform_indices = @transform_6, window_bounds = array<i64: 5000, 128>}]} {
    %get3A = arith.constant 0 : index
    %get3A_0 = arith.constant 0 : index
    %get3A_1 = arith.constant 0 : index
    %get3A_2 = vector.load %arg1[%get3A, %get3A_0, %get3A_1] : memref<2x5000x128xf32, #tpu.memory_space<vmem>>, vector<1x5000x128xf32>
    %get3A_3 = vector.shape_cast %get3A_2 : vector<1x5000x128xf32> to vector<5000x128xf32>
    %get3A_4 = arith.constant 1 : index
    %get3A_5 = arith.constant 0 : index
    %get3A_6 = arith.constant 0 : index
    %get3A_7 = vector.load %arg1[%get3A_4, %get3A_5, %get3A_6] : memref<2x5000x128xf32, #tpu.memory_space<vmem>>, vector<1x5000x128xf32>
    %get3A_8 = vector.shape_cast %get3A_7 : vector<1x5000x128xf32> to vector<5000x128xf32>
    %add3A = arith.addf %get3A_3, %get3A_8 : vector<5000x128xf32>
    %get3A_9 = arith.constant 0 : index
    %get3A_10 = arith.constant 0 : index
    %get3A_11 = vector.load %arg3[%get3A_9, %get3A_10] : memref<5000x1xf32, #tpu.memory_space<vmem>>, vector<5000x1xf32>
    %neg3A = arith.constant 0.000000e+00 : f32
    %neg3A_12 = vector.broadcast %neg3A : f32 to vector<5000x1xf32>
    %neg3A_13 = arith.subf %neg3A_12, %get3A_11 : vector<5000x1xf32>
    %mul3A = vector.broadcast %neg3A_13 : vector<5000x1xf32> to vector<5000x128xf32>
    %mul3A_14 = arith.mulf %mul3A, %add3A : vector<5000x128xf32>
    %mul3A_15 = vector.broadcast %get3A_11 : vector<5000x1xf32> to vector<5000x128xf32>
    %mul3A_16 = arith.mulf %mul3A_15, %mul3A_14 : vector<5000x128xf32>
    %swap3A = arith.constant 0 : index
    %swap3A_17 = arith.constant 0 : index
    %swap3A_18 = vector.load %arg6[%swap3A, %swap3A_17] : memref<5000x128xf32, #tpu.memory_space<vmem>>, vector<5000x128xf32>
    tpu.vector_store %arg6[%swap3A, %swap3A_17], %mul3A_16 {strides = array<i32>} : memref<5000x128xf32, #tpu.memory_space<vmem>>, vector<5000x128xf32>,
    %get3A_19 = arith.constant 0 : index
    %get3A_20 = arith.constant 0 : index
    %get3A_21 = arith.constant 0 : index
    %get3A_22 = vector.load %arg4[%get3A_19, %get3A_20, %get3A_21] : memref<3x128x128xf32, #tpu.memory_space<vmem>>, vector<1x128x128xf32>
    %get3A_23 = vector.shape_cast %get3A_22 : vector<1x128x128xf32> to vector<128x128xf32>
    %get3A_24 = arith.constant 2 : index
    %get3A_25 = arith.constant 0 : index
    %get3A_26 = arith.constant 0 : index
    %get3A_27 = vector.load %arg4[%get3A_24, %get3A_25, %get3A_26] : memref<3x128x128xf32, #tpu.memory_space<vmem>>, vector<1x128x128xf32>
    %get3A_28 = vector.shape_cast %get3A_27 : vector<1x128x128xf32> to vector<128x128xf32>
    %sub3A = arith.subf %get3A_23, %get3A_28 : vector<128x128xf32>
    %get3A_29 = arith.constant 0 : index
    %get3A_30 = arith.constant 0 : index
    %get3A_31 = vector.load %arg2[%get3A_29, %get3A_30] : memref<5000x128xf32, #tpu.memory_space<vmem>>, vector<5000x128xf32>
    %dot_general3A = arith.constant dense<0.000000e+00> : vector<5000x128xf32>
    %dot_general3A_32 = tpu.matmul %get3A_31, %sub3A, %dot_general3A {dimension_numbers = #tpu.dot_dimension_numbers<[1], [0], [0], [1], [0, 0, 1, 1], [], []>, transpose_lhs_hint = false} : vector<5000x128xf32>, vector<128x128xf32>, vector<5000x128xf32> -> vector<5000x128xf32>
    %get3A_33 = arith.constant 1 : index
    %get3A_34 = arith.constant 0 : index
    %get3A_35 = arith.constant 0 : index
    %get3A_36 = vector.load %arg4[%get3A_33, %get3A_34, %get3A_35] : memref<3x128x128xf32, #tpu.memory_space<vmem>>, vector<1x128x128xf32>
    %get3A_37 = vector.shape_cast %get3A_36 : vector<1x128x128xf32> to vector<128x128xf32>
    %dot_general3A_38 = arith.constant dense<0.000000e+00> : vector<5000x128xf32>
    %dot_general3A_39 = tpu.matmul %mul3A_14, %get3A_37, %dot_general3A_38 {dimension_numbers = #tpu.dot_dimension_numbers<[1], [0], [0], [1], [0, 0, 1, 1], [], []>, transpose_lhs_hint = false} : vector<5000x128xf32>, vector<128x128xf32>, vector<5000x128xf32> -> vector<5000x128xf32>
    %add3A_40 = arith.addf %dot_general3A_32, %dot_general3A_39 : vector<5000x128xf32>
    %get3A_41 = arith.constant 0 : index
    %get3A_42 = arith.constant 0 : index
    %get3A_43 = vector.load %arg5[%get3A_41, %get3A_42] : memref<1x128xf32, #tpu.memory_space<vmem>>, vector<1x128xf32>
    %add3A_44 = vector.broadcast %get3A_43 : vector<1x128xf32> to vector<5000x128xf32>
    %add3A_45 = arith.addf %add3A_40, %add3A_44 : vector<5000x128xf32>
    %swap3A_46 = arith.constant 0 : index
    %swap3A_47 = arith.constant 0 : index
    %swap3A_48 = vector.load %arg7[%swap3A_46, %swap3A_47] : memref<5000x128xf32, #tpu.memory_space<vmem>>, vector<5000x128xf32>
    tpu.vector_store %arg7[%swap3A_46, %swap3A_47], %add3A_45 {strides = array<i32>} : memref<5000x128xf32, #tpu.memory_space<vmem>>, vector<5000x128xf32>,
    return
  }
  func.func @transform_0(%arg0: i32) -> (i32, i32, i32) {
    %c0_i32 = arith.constant 0 : i32
    %c0_i32_0 = arith.constant 0 : i32
    %c0_i32_1 = arith.constant 0 : i32
    return %c0_i32, %arg0, %c0_i32_0 : i32, i32, i32
  }
  func.func @transform_1(%arg0: i32) -> (i32, i32) {
    %c0_i32 = arith.constant 0 : i32
    %c0_i32_0 = arith.constant 0 : i32
    return %arg0, %c0_i32 : i32, i32
  }
  func.func @transform_2(%arg0: i32) -> (i32, i32) {
    %c0_i32 = arith.constant 0 : i32
    %c0_i32_0 = arith.constant 0 : i32
    return %arg0, %c0_i32 : i32, i32
  }
  func.func @transform_3(%arg0: i32) -> (i32, i32, i32) {
    %c0_i32 = arith.constant 0 : i32
    %c0_i32_0 = arith.constant 0 : i32
    %c0_i32_1 = arith.constant 0 : i32
    %c0_i32_2 = arith.constant 0 : i32
    return %c0_i32, %c0_i32_0, %c0_i32_1 : i32, i32, i32
  }
  func.func @transform_4(%arg0: i32) -> (i32, i32) {
    %c0_i32 = arith.constant 0 : i32
    %c0_i32_0 = arith.constant 0 : i32
    %c0_i32_1 = arith.constant 0 : i32
    return %c0_i32, %c0_i32_0 : i32, i32
  }
  func.func @transform_5(%arg0: i32) -> (i32, i32) {
    %c0_i32 = arith.constant 0 : i32
    %c0_i32_0 = arith.constant 0 : i32
    return %arg0, %c0_i32 : i32, i32
  }
  func.func @transform_6(%arg0: i32) -> (i32, i32) {
    %c0_i32 = arith.constant 0 : i32
    %c0_i32_0 = arith.constant 0 : i32
    return %arg0, %c0_i32 : i32, i32
  }
}

module attributes {stable_mosaic.version = 14 : i64} {
  func.func @_mid_b_pool_body(%arg0: i32, %arg1: memref<2x5000x128xf32, #tpu.memory_space<vmem>>, %arg2: memref<5000x128xf32, #tpu.memory_space<vmem>>, %arg3: memref<5000x1xf32, #tpu.memory_space<vmem>>, %arg4: memref<3x128x128xf32, #tpu.memory_space<vmem>>, %arg5: memref<1x128xf32, #tpu.memory_space<vmem>>, %arg6: memref<5000x1xi32, #tpu.memory_space<vmem>>, %arg7: memref<16x128xf32, #tpu.memory_space<vmem>>, %arg8: memref<16x1xf32, #tpu.memory_space<vmem>>) attributes {dimension_semantics = [#tpu.dimension_semantics<arbitrary>], iteration_bounds = array<i64: 2>, scalar_prefetch = 0 : i64, scratch_operands = 1 : i64, tpu.core_type = #tpu.core_type<tc>, window_params = [{transform_indices = @transform_0, window_bounds = array<i64: 2, 5000, 128>}, {transform_indices = @transform_1, window_bounds = array<i64: 5000, 128>}, {transform_indices = @transform_2, window_bounds = array<i64: 5000, 1>}, {pipeline_mode = #tpu.pipeline_mode<synchronous>, transform_indices = @transform_3, window_bounds = array<i64: 3, 128, 128>}, {pipeline_mode = #tpu.pipeline_mode<synchronous>, transform_indices = @transform_4, window_bounds = array<i64: 1, 128>}, {transform_indices = @transform_5, window_bounds = array<i64: 5000, 1>}, {pipeline_mode = #tpu.pipeline_mode<synchronous>, transform_indices = @transform_6, window_bounds = array<i64: 16, 128>}]} {
    %get3A = arith.constant 0 : index
    %get3A_0 = arith.constant 0 : index
    %get3A_1 = arith.constant 0 : index
    %get3A_2 = vector.load %arg1[%get3A, %get3A_0, %get3A_1] : memref<2x5000x128xf32, #tpu.memory_space<vmem>>, vector<1x5000x128xf32>
    %get3A_3 = vector.shape_cast %get3A_2 : vector<1x5000x128xf32> to vector<5000x128xf32>
    %get3A_4 = arith.constant 1 : index
    %get3A_5 = arith.constant 0 : index
    %get3A_6 = arith.constant 0 : index
    %get3A_7 = vector.load %arg1[%get3A_4, %get3A_5, %get3A_6] : memref<2x5000x128xf32, #tpu.memory_space<vmem>>, vector<1x5000x128xf32>
    %get3A_8 = vector.shape_cast %get3A_7 : vector<1x5000x128xf32> to vector<5000x128xf32>
    %add3A = arith.addf %get3A_3, %get3A_8 : vector<5000x128xf32>
    %get3A_9 = arith.constant 0 : index
    %get3A_10 = arith.constant 0 : index
    %get3A_11 = vector.load %arg3[%get3A_9, %get3A_10] : memref<5000x1xf32, #tpu.memory_space<vmem>>, vector<5000x1xf32>
    %mul3A = vector.broadcast %get3A_11 : vector<5000x1xf32> to vector<5000x128xf32>
    %mul3A_12 = arith.mulf %mul3A, %add3A : vector<5000x128xf32>
    %get3A_13 = arith.constant 0 : index
    %get3A_14 = arith.constant 0 : index
    %get3A_15 = vector.load %arg2[%get3A_13, %get3A_14] : memref<5000x128xf32, #tpu.memory_space<vmem>>, vector<5000x128xf32>
    %get3A_16 = arith.constant 2 : index
    %get3A_17 = arith.constant 0 : index
    %get3A_18 = arith.constant 0 : index
    %get3A_19 = vector.load %arg4[%get3A_16, %get3A_17, %get3A_18] : memref<3x128x128xf32, #tpu.memory_space<vmem>>, vector<1x128x128xf32>
    %get3A_20 = vector.shape_cast %get3A_19 : vector<1x128x128xf32> to vector<128x128xf32>
    %dot_general3A = arith.constant dense<0.000000e+00> : vector<5000x128xf32>
    %dot_general3A_21 = tpu.matmul %mul3A_12, %get3A_20, %dot_general3A {dimension_numbers = #tpu.dot_dimension_numbers<[1], [0], [0], [1], [0, 0, 1, 1], [], []>, transpose_lhs_hint = false} : vector<5000x128xf32>, vector<128x128xf32>, vector<5000x128xf32> -> vector<5000x128xf32>
    %mul3A_22 = arith.constant 2.000000e+00 : f32
    %mul3A_23 = vector.broadcast %mul3A_22 : f32 to vector<5000x128xf32>
    %mul3A_24 = arith.mulf %mul3A_23, %dot_general3A_21 : vector<5000x128xf32>
    %sub3A = arith.subf %get3A_15, %mul3A_24 : vector<5000x128xf32>
    %ge3A = arith.constant 0.000000e+00 : f32
    %ge3A_25 = vector.broadcast %ge3A : f32 to vector<5000x128xf32>
    %ge3A_26 = arith.cmpf oge, %sub3A, %ge3A_25 : vector<5000x128xf32>
    %get3A_27 = arith.constant 0 : index
    %get3A_28 = arith.constant 0 : index
    %get3A_29 = vector.load %arg5[%get3A_27, %get3A_28] : memref<1x128xf32, #tpu.memory_space<vmem>>, vector<1x128xf32>
    %mul3A_30 = vector.broadcast %get3A_29 : vector<1x128xf32> to vector<5000x128xf32>
    %mul3A_31 = arith.mulf %mul3A_30, %sub3A : vector<5000x128xf32>
    %select_n3A = arith.select %ge3A_26, %sub3A, %mul3A_31 : vector<5000x128xi1>, vector<5000x128xf32>
    %get3A_32 = arith.constant 0 : index
    %get3A_33 = arith.constant 0 : index
    %get3A_34 = vector.load %arg6[%get3A_32, %get3A_33] : memref<5000x1xi32, #tpu.memory_space<vmem>>, vector<5000x1xi32>
    %iota3A = tpu.iota {dimensions = array<i32: 1>} : vector<1x16xi32>
    %eq3A = vector.broadcast %get3A_34 : vector<5000x1xi32> to vector<5000x16xi32>
    %eq3A_35 = vector.broadcast %iota3A : vector<1x16xi32> to vector<5000x16xi32>
    %eq3A_36 = arith.cmpi eq, %eq3A, %eq3A_35 : vector<5000x16xi32>
    %convert_element_type3A = arith.extui %eq3A_36 : vector<5000x16xi1> to vector<5000x16xi32>
    %convert_element_type3A_37 = arith.sitofp %convert_element_type3A : vector<5000x16xi32> to vector<5000x16xf32>
    %dot_general3A_38 = arith.constant dense<0.000000e+00> : vector<16x128xf32>
    %dot_general3A_39 = tpu.matmul %convert_element_type3A_37, %select_n3A, %dot_general3A_38 {dimension_numbers = #tpu.dot_dimension_numbers<[0], [0], [1], [1], [0, 1, 1, 1], [], []>, transpose_lhs_hint = false} : vector<5000x16xf32>, vector<5000x128xf32>, vector<16x128xf32> -> vector<16x128xf32>
    %broadcast_in_dim3A = arith.constant 1.000000e+00 : f32
    %broadcast_in_dim3A_40 = vector.broadcast %broadcast_in_dim3A : f32 to vector<5000x1xf32>
    %dot_general3A_41 = arith.constant dense<0.000000e+00> : vector<16x1xf32>
    %dot_general3A_42 = tpu.matmul %convert_element_type3A_37, %broadcast_in_dim3A_40, %dot_general3A_41 {dimension_numbers = #tpu.dot_dimension_numbers<[0], [0], [1], [1], [0, 1, 1, 1], [], []>, transpose_lhs_hint = false} : vector<5000x16xf32>, vector<5000x1xf32>, vector<16x1xf32> -> vector<16x1xf32>
    %eq3A_43 = arith.constant 0 : i32
    %eq3A_44 = arith.cmpi eq, %arg0, %eq3A_43 : i32
    %convert_element_type3A_45 = arith.extui %eq3A_44 : i1 to i32
    %cond3A = arith.constant 0 : i32
    %cond3A_46 = arith.cmpi ne, %convert_element_type3A_45, %cond3A : i32
    scf.if %cond3A_46 {
      %broadcast_in_dim3A_65 = arith.constant 0.000000e+00 : f32
      %broadcast_in_dim3A_66 = vector.broadcast %broadcast_in_dim3A_65 : f32 to vector<16x128xf32>
      %swap3A_67 = arith.constant 0 : index
      %swap3A_68 = arith.constant 0 : index
      %swap3A_69 = vector.load %arg7[%swap3A_67, %swap3A_68] : memref<16x128xf32, #tpu.memory_space<vmem>>, vector<16x128xf32>
      tpu.vector_store %arg7[%swap3A_67, %swap3A_68], %broadcast_in_dim3A_66 {strides = array<i32>} : memref<16x128xf32, #tpu.memory_space<vmem>>, vector<16x128xf32>,
      %broadcast_in_dim3A_70 = arith.constant 0.000000e+00 : f32
      %broadcast_in_dim3A_71 = vector.broadcast %broadcast_in_dim3A_70 : f32 to vector<16x1xf32>
      %swap3A_72 = arith.constant 0 : index
      %swap3A_73 = arith.constant 0 : index
      %swap3A_74 = vector.load %arg8[%swap3A_72, %swap3A_73] : memref<16x1xf32, #tpu.memory_space<vmem>>, vector<16x1xf32>
      tpu.vector_store %arg8[%swap3A_72, %swap3A_73], %broadcast_in_dim3A_71 {strides = array<i32>} : memref<16x1xf32, #tpu.memory_space<vmem>>, vector<16x1xf32>,
    } else {
    }
    %get3A_47 = arith.constant 0 : index
    %get3A_48 = arith.constant 0 : index
    %get3A_49 = vector.load %arg7[%get3A_47, %get3A_48] : memref<16x128xf32, #tpu.memory_space<vmem>>, vector<16x128xf32>
    %add3A_50 = arith.addf %get3A_49, %dot_general3A_39 : vector<16x128xf32>
    %swap3A = arith.constant 0 : index
    %swap3A_51 = arith.constant 0 : index
    %swap3A_52 = vector.load %arg7[%swap3A, %swap3A_51] : memref<16x128xf32, #tpu.memory_space<vmem>>, vector<16x128xf32>
    tpu.vector_store %arg7[%swap3A, %swap3A_51], %add3A_50 {strides = array<i32>} : memref<16x128xf32, #tpu.memory_space<vmem>>, vector<16x128xf32>,
    %get3A_53 = arith.constant 0 : index
    %get3A_54 = arith.constant 0 : index
    %get3A_55 = vector.load %arg8[%get3A_53, %get3A_54] : memref<16x1xf32, #tpu.memory_space<vmem>>, vector<16x1xf32>
    %add3A_56 = arith.addf %get3A_55, %dot_general3A_42 : vector<16x1xf32>
    %swap3A_57 = arith.constant 0 : index
    %swap3A_58 = arith.constant 0 : index
    %swap3A_59 = vector.load %arg8[%swap3A_57, %swap3A_58] : memref<16x1xf32, #tpu.memory_space<vmem>>, vector<16x1xf32>
    tpu.vector_store %arg8[%swap3A_57, %swap3A_58], %add3A_56 {strides = array<i32>} : memref<16x1xf32, #tpu.memory_space<vmem>>, vector<16x1xf32>,
    %eq3A_60 = arith.constant 1 : i32
    %eq3A_61 = arith.cmpi eq, %arg0, %eq3A_60 : i32
    %convert_element_type3A_62 = arith.extui %eq3A_61 : i1 to i32
    %cond3A_63 = arith.constant 0 : i32
    %cond3A_64 = arith.cmpi ne, %convert_element_type3A_62, %cond3A_63 : i32
    scf.if %cond3A_64 {
      %get3A_65 = arith.constant 0 : index
      %get3A_66 = arith.constant 0 : index
      %get3A_67 = vector.load %arg7[%get3A_65, %get3A_66] : memref<16x128xf32, #tpu.memory_space<vmem>>, vector<16x128xf32>
      %get3A_68 = arith.constant 0 : index
      %get3A_69 = arith.constant 0 : index
      %get3A_70 = vector.load %arg8[%get3A_68, %get3A_69] : memref<16x1xf32, #tpu.memory_space<vmem>>, vector<16x1xf32>
      %max3A = arith.constant 1.000000e+00 : f32
      %max3A_71 = vector.broadcast %max3A : f32 to vector<16x1xf32>
      %max3A_72 = arith.maximumf %get3A_70, %max3A_71 : vector<16x1xf32>
      %div3A = vector.broadcast %max3A_72 : vector<16x1xf32> to vector<16x128xf32>
      %div3A_73 = arith.divf %get3A_67, %div3A : vector<16x128xf32>
      %swap3A_74 = arith.constant 0 : index
      %swap3A_75 = arith.constant 0 : index
      %swap3A_76 = vector.load %arg7[%swap3A_74, %swap3A_75] : memref<16x128xf32, #tpu.memory_space<vmem>>, vector<16x128xf32>
      tpu.vector_store %arg7[%swap3A_74, %swap3A_75], %div3A_73 {strides = array<i32>} : memref<16x128xf32, #tpu.memory_space<vmem>>, vector<16x128xf32>,
    } else {
    }
    return
  }
  func.func @transform_0(%arg0: i32) -> (i32, i32, i32) {
    %c0_i32 = arith.constant 0 : i32
    %c0_i32_0 = arith.constant 0 : i32
    %c0_i32_1 = arith.constant 0 : i32
    return %c0_i32, %arg0, %c0_i32_0 : i32, i32, i32
  }
  func.func @transform_1(%arg0: i32) -> (i32, i32) {
    %c0_i32 = arith.constant 0 : i32
    %c0_i32_0 = arith.constant 0 : i32
    return %arg0, %c0_i32 : i32, i32
  }
  func.func @transform_2(%arg0: i32) -> (i32, i32) {
    %c0_i32 = arith.constant 0 : i32
    %c0_i32_0 = arith.constant 0 : i32
    return %arg0, %c0_i32 : i32, i32
  }
  func.func @transform_3(%arg0: i32) -> (i32, i32, i32) {
    %c0_i32 = arith.constant 0 : i32
    %c0_i32_0 = arith.constant 0 : i32
    %c0_i32_1 = arith.constant 0 : i32
    %c0_i32_2 = arith.constant 0 : i32
    return %c0_i32, %c0_i32_0, %c0_i32_1 : i32, i32, i32
  }
  func.func @transform_4(%arg0: i32) -> (i32, i32) {
    %c0_i32 = arith.constant 0 : i32
    %c0_i32_0 = arith.constant 0 : i32
    %c0_i32_1 = arith.constant 0 : i32
    return %c0_i32, %c0_i32_0 : i32, i32
  }
  func.func @transform_5(%arg0: i32) -> (i32, i32) {
    %c0_i32 = arith.constant 0 : i32
    %c0_i32_0 = arith.constant 0 : i32
    return %arg0, %c0_i32 : i32, i32
  }
  func.func @transform_6(%arg0: i32) -> (i32, i32) {
    %c0_i32 = arith.constant 0 : i32
    %c0_i32_0 = arith.constant 0 : i32
    %c0_i32_1 = arith.constant 0 : i32
    return %c0_i32, %c0_i32_0 : i32, i32
  }
}

</mosaic_0001>

<sc_bundles>
// kernel: closed_call.16.cloned.1.call-start
scs
__scs_entry_jumppad:
0x0: {  	(pc) =	sbr.rel $0x88, $3  }
0x1: {  	(tag) =	ssettag $0x0;
	lr =	simm.s32 $0x1  }
0x2: {  	[smem:$0x3F98] =	sst lr;
	_ =	strace $0xD0000000  }
0x3: {  	_ = 	snop  }
0x4: {  	_ = 	snop  }
0x5: {  	_ = 	snop  }
0x6: {  	_ = 	snop  }
0x7: {  	_ = 	snop  }
__scs_overlays_trampoline_lowered:
0x8: {  	[smem:$0x3FA7] =	sst s0  }
0x9: {  	[smem:$0x3FA8] =	sst s1  }
0xa: {  	[smem:$0x3FA9] =	sst s2  }
0xb: {  	[smem:$0x3FAA] =	sst s3  }
0xc: {  	[smem:$0x3FAB] =	sst s4  }
0xd: {  	[smem:$0x3FAC] =	sst s5  }
0xe: {  	[smem:$0x3FAD] =	sst s6  }
0xf: {  	[smem:$0x3FAE] =	sst s7  }
0x10: {  	[smem:$0x3FAF] =	sst s8  }
0x11: {  	[smem:$0x3FB0] =	sst s9;
	s0 =	simm.s32 @!p0 $0x0  }
0x12: {  	s1 =	sld [smem:$0x3F96];
	s0 =	simm.s32 @p0 $0x1  }
0x13: {  	[smem:$0x3FB1] =	sst s0;
	s0 =	simm.s32 @!p1 $0x0  }
0x14: {  	s2 =	sld [smem:$0x3F95];
	s0 =	simm.s32 @p1 $0x1  }
0x15: {  	[smem:$0x3FB2] =	sst s0;
	s0 =	simm.s32 @!p2 $0x0  }
0x16: {  	s3 =	sld [smem:$0x3FDB];
	s0 =	simm.s32 @p2 $0x1  }
0x17: {  	s4 =	simm.s32 $0x1BF5;
	[smem:$0x3FB4] =	sst s0  }
0x18: {  	s0 =	sld [smem:$0x3F97];
	_ =	swait.ge [sflag:s4], $0x0  }
0x19: {  	s7 =	sld [smem:$0x3F98]  }
0x1a: {  	s8 =	sadd.s32 $0xFFFFE003, lr  }
0x1b: {  	s9 =	sadd.s32 $0xFFFFFEF7, lr;
	s5 =	simm.s32 $0xFFFFFFFF;
	p2 =	slt.u32 s8, $0xFFFFF086  }
0x1c: {  	p1 =	slt.u32 s9, $0xF7A;
	s5 =	simm.s32 @!p2 $0x0  }
0x1d: {  	s5 =	simm.s32 @p1 $0x1;
	p0 =	seq.s32 s7, s2  }
0x1e: {  	s7 =	smul.u32 @!p0 $0xF7A, s2;
	p2 =	seq.s32 @!p0 s5, $0x0  }
0x1f: {  	s9 =	smul.u32 $0xF7A, s1;
	s8 =	simm.s32 @!p0 $0x1BF5;
	p2 =	por !p2, p0  }
0x20: {  	[sflag:s8] =	ssyncset.s32 @!p0 $0xFFFFF086;
	s6 =	sadd.s32 @!p0 s3, s7;
	s7 =	simm.s32 @!p0 $0x108  }
0x21: {  	s3 =	sadd.s32 s3, s9;
	s6 =	sadd.s32 @!p0 $0x88, s6;
	s7 =	simm.s32 @p2 $0x1082  }
0x22: {  	[simem:s7], [sflag:s8] =	dma.local @!p0 [hbm:s6], $0xF7A  }
0x23: {  	s9 =	sor.u32 $0xD0000000, s2;
	s6 =	simm.s32 $0x108;
	_ =	swait.ge @!p0 [sflag:s8], $0x0  }
0x24: {  	s3 =	sadd.s32 $0x88, s3;
	s6 =	simm.s32 @!p1 $0x1082;
	[sflag:s4] =	ssyncset.s32 $0xFFFFF086  }
0x25: {  	[simem:s6], [sflag:s4] =	dma.local [hbm:s3], $0xF7A  }
0x26: {  	[smem:$0x3F98] =	sst s1;
	(tag) =	ssettag s2;
	_ =	strace s9  }
0x27: {  	s1 =	sld [smem:$0x3FA8]  }
0x28: {  	s2 =	sld [smem:$0x3FA9]  }
0x29: {  	s4 =	sld [smem:$0x3FAB]  }
0x2a: {  	p0 =	seq.s32 s5, $0x0;
	s5 =	sld [smem:$0x3FAC]  }
0x2b: {  	s6 =	sld [smem:$0x3FAD]  }
0x2c: {  	s7 =	sld [smem:$0x3FAE]  }
0x2d: {  	s3 =	simm.s32 $0x108;
	s8 =	sld [smem:$0x3FAF]  }
0x2e: {  	s3 =	simm.s32 @!p0 $0x1082;
	s9 =	sld [smem:$0x3FB0]  }
0x2f: {  	lr =	sadd.s32 s0, s3;
	s0 =	sld [smem:$0x3FA7]  }
0x30: {  	s3 =	sld [smem:$0x3FAA]  }
0x31: {  	[smem:$0x3FB3] =	sst s10  }
0x32: {  	s10 =	sld [smem:$0x3FB1];
	_ =	sdelay $0x3  }
0x33: {  	p0 =	seq.s32 s10, $0x1;
	s10 =	sld [smem:$0x3FB3];
	_ =	sdelay $0x3  }
0x34: {  	[smem:$0x3FB3] =	sst s10  }
0x35: {  	s10 =	sld [smem:$0x3FB2];
	_ =	sdelay $0x3  }
0x36: {  	p1 =	seq.s32 s10, $0x1;
	s10 =	sld [smem:$0x3FB3];
	_ =	sdelay $0x3  }
0x37: {  	[smem:$0x3FB3] =	sst s10  }
0x38: {  	s10 =	sld [smem:$0x3FB4]  }
0x39: {  	_ = 	snop;
	(pc) =	sbr.ind lr, $3  }
0x3a: {  	_ = 	snop  }
0x3b: {  	_ = 	snop  }
0x3c: {  	p2 =	seq.s32 s10, $0x1;
	s10 =	sld [smem:$0x3FB3]  }
0x3d: {  	_ =	shalt  }
0x3e: {  	_ =	shalt  }
0x3f: {  	_ =	shalt  }
0x40: {  	_ =	shalt  }
0x41: {  	_ =	shalt  }
0x42: {  	_ =	shalt  }
0x43: {  	_ =	shalt  }
0x44: {  	_ =	shalt  }
0x45: {  	_ =	shalt  }
0x46: {  	_ =	shalt  }
0x47: {  	_ =	shalt  }
0x48: {  	_ =	shalt  }
0x49: {  	_ =	shalt  }
0x4a: {  	_ =	shalt  }
0x4b: {  	_ =	shalt  }
0x4c: {  	_ =	shalt  }
0x4d: {  	_ =	shalt  }
0x4e: {  	_ =	shalt  }
0x4f: {  	_ =	shalt  }
0x50: {  	_ =	shalt  }
0x51: {  	_ =	shalt  }
0x52: {  	_ =	shalt  }
0x53: {  	_ =	shalt  }
0x54: {  	_ =	shalt  }
0x55: {  	_ =	shalt  }
0x56: {  	_ =	shalt  }
0x57: {  	_ =	shalt  }
0x58: {  	_ =	shalt  }
0x59: {  	_ =	shalt  }
0x5a: {  	_ =	shalt  }
0x5b: {  	_ =	shalt  }
0x5c: {  	_ =	shalt  }
0x5d: {  	_ =	shalt  }
0x5e: {  	_ =	shalt  }
0x5f: {  	_ =	shalt  }
0x60: {  	_ =	shalt  }
0x61: {  	_ =	shalt  }
0x62: {  	_ =	shalt  }
0x63: {  	_ =	shalt  }
0x64: {  	_ =	shalt  }
0x65: {  	_ =	shalt  }
0x66: {  	_ =	shalt  }
0x67: {  	_ =	shalt  }
0x68: {  	_ =	shalt  }
0x69: {  	_ =	shalt  }
0x6a: {  	_ =	shalt  }
0x6b: {  	_ =	shalt  }
0x6c: {  	_ =	shalt  }
0x6d: {  	_ =	shalt  }
0x6e: {  	_ =	shalt  }
0x6f: {  	_ =	shalt  }
0x70: {  	_ =	shalt  }
0x71: {  	_ =	shalt  }
0x72: {  	_ =	shalt  }
0x73: {  	_ =	shalt  }
0x74: {  	_ =	shalt  }
0x75: {  	_ =	shalt  }
0x76: {  	_ =	shalt  }
0x77: {  	_ =	shalt  }
0x78: {  	_ =	shalt  }
0x79: {  	_ =	shalt  }
0x7a: {  	_ =	shalt  }
0x7b: {  	_ =	shalt  }
0x7c: {  	_ =	shalt  }
0x7d: {  	_ =	shalt  }
0x7e: {  	_ =	shalt  }
0x7f: {  	_ =	shalt  }
0x80: {  	_ =	shalt  }
0x81: {  	_ =	shalt  }
0x82: {  	_ =	shalt  }
0x83: {  	_ =	shalt  }
0x84: {  	_ =	shalt  }
0x85: {  	_ =	shalt  }
0x86: {  	_ =	shalt  }
0x87: {  	_ =	shalt  }
.Lfunc_end0:
.L_simem_size_0:
called_computation_lowered:
.L_overlay_start_0:
0x88: {  	s2 =	sld [smem:$0x3FD9]  }
0x89: {  	s3 =	sld [smem:$0x3FFE];
	_ =	sdelay $0x1  }
0x8a: {  	s1 =	srdreg.scid  }
0x8b: {  	s0 =	sand.u32 $0x1, s1  }
0x8c: {  	s16 =	sshll.u32 s0, $0xA;
	s2 =	sadd.s32 s3, s2  }
0x8d: {  	s2 =	sadd.s32 s2, s16  }
0x8e: {  	[smem:$0x3FBF] =	sst s2  }
0x8f: {  	_ = 	snop  }
0x90: {  	(tm) =	ssettm $0x1  }
0x91: {  	s17 =	sld [smem:$0x3FFB];
	_ =	sdelay $0x3  }
0x92: {  	_ =	strace s17  }
0x93: {  	s2 =	sld [smem:$0x3FFC];
	_ =	sdelay $0x3  }
0x94: {  	_ =	strace s2  }
0x95: {  	s2 =	sld [smem:$0x3FFD];
	_ =	sdelay $0x3  }
0x96: {  	_ =	strace s2  }
0x97: {  	_ =	strace $0x8FFFFFFF  }
0x98: {  	s18 =	sld [smem:$0x3FDB];
	_ =	sdelay $0x1  }
0x99: {  	s19 =	simm.s32 $_scs_section_size  }
0x9a: {  	s4 =	simm.s32 $_size__tile_overlayer_lowered;
	s5 =	simm.s32 $_tile_overlayer_lowered  }
0x9b: {  	s22 =	simm.s32 $0x1BFF;
	s21 =	sshll.u32 s5, $0x1;
	s2 =	sadd.s32 s19, s18  }
0x9c: {  	s6 =	simm.s32 $0x0;
	s20 =	sshll.u32 s4, $0x1;
	s4 =	sadd.s32 s21, s2  }
0x9d: {  	[timem:s6], [sflag:s22] =	dma.local [hbm:s4], s20  }
0x9e: {  	_ =	swait.ge [sflag:s22], s20  }
0x9f: {  	s3 =	ssub.s32 $0x0, s20;
	[sflag:s22] =	ssyncset.done $0x0  }
0xa0: {  	[sflag:s22] =	ssyncadd.s32 s3;
	_ =	sdelay $0x1  }
0xa1: {  	s23 =	simm.s32 $0x1B8B  }
0xa2: {  	_ =	swait.ge [sflag:s23], $0x1  }
0xa3: {  	[sflag:s23] =	ssyncset.done $0x0  }
0xa4: {  	s25 =	simm.s32 $0x1B8E;
	s24 =	sld [smem:$0x3FFE];
	[sflag:s23] =	ssyncadd.s32 $0xFFFFFFFF  }
0xa5: {  	s26 =	simm.s32 $execute0_lowered;
	[smem:$0x3FD2] =	sst s25  }
0xa6: {  	s4 =	sshll.u32 s26, $0x1;
	_ =	strace $0x80000046;
	[dreg:$0x1] =	wrdreg $0xFFFFFFFF  }
0xa7: {  	s28 =	simm.s32 $_size_execute0_lowered;
	s2 =	sadd.s32 s2, s4;
	[dreg:$0x0] =	wrdreg $0x0  }
0xa8: {  	s4 =	sshll.u32 s28, $0x1;
	[dreg:$0x2] =	wrdreg s2  }
0xa9: {  	[dreg:$0x3] =	wrdreg s4  }
0xaa: {  	[dreg:$0x4] =	wrdreg $0xC0  }
0xab: {  	_ =	task [dreg:s6], $0x5FFFF  }
0xac: {  	[dreg:$0x1] =	wrdreg $0xFFFFFFFF  }
0xad: {  	[dreg:$0x0] =	wrdreg $0x60  }
0xae: {  	[dreg:$0x2] =	wrdreg s24  }
0xaf: {  	[dreg:$0x3] =	wrdreg $0xBC000  }
0xb0: {  	[dreg:$0x4] =	wrdreg $0x9  }
0xb1: {  	_ =	task.clear_ibuf [dreg:s6], $0x5FFFF;
	_ =	strace $0x90000046  }
0xb2: {  	s29 =	simm.s32 $0x9;
	_ =	strace $0x80000048  }
0xb3: {  	_ =	swait.ge [sflag:s29], $0x1  }
0xb4: {  	[sflag:s29] =	ssyncadd.s32 $0xFFFFFFFF  }
0xb5: {  	_ =	strace $0x90000048  }
0xb6: {  	_ =	sfence  }
0xb7: {  	s30 =	sld [smem:$0x0];
	_ =	sdelay $0x2  }
0xb8: {  	s31 =	sshll.u32 s1, $0xD;
	s1 =	sshrl.u32 s1, $0x2  }
0xb9: {  	s3 =	sand.u32 $0x4000, s31;
	s1 =	sadd.s32 s1, s30  }
0xba: {  	s0 =	sor.u32 s3, s0;
	s1 =	sshll.u32 s1, $0x11  }
0xbb: {  	s0 =	sor.u32 s1, s0  }
0xbc: {  	s0 =	sadd.s32 $0x8F2B, s0  }
0xbd: {  	[sflag:s0] =	ssyncadd.remote.s32 $0x1  }
0xbe: {  	_ =	sfence.sel $0xFFFF  }
0xbf: {  	[dreg:$0x0] =	wrdreg $0xFFFFFFFF;
	(pc) =	sbr.abs _section_cstart, $3  }
0xc0: {  	[dreg:$0x1] =	wrdreg $0xFFFFFFFF  }
0xc1: {  	_ =	task.clear_ibuf [dreg:s6], $0x2FFFF;
	_ =	strace $0x9FFFFFFF  }
0xc2: {  	(tm) =	ssettm $0x7FFFFFFF  }
0xc3: {  	_ =	shalt  }
tec
execute0_lowered:
.L_overlay_start_1:
0x0: {  	(tag) =	ssettag $0x1  }
0x1: {  	s0 =	srdreg.scid;
	s7 =	rddreg [dreg:$0x0]  }
0x2: {  	s2 =	rddreg [dreg:$0x1];
	s3 =	simm.s32 $0x0;
	s13 =	simm.s32 $0x400  }
0x3: {  	s14 =	simm.s32 $0x2;
	s15 =	simm.s32 $0x3C00;
	s16 =	simm.s32 $0x7C00  }
0x4: {  	s19 =	simm.s32 $0x3;
	s20 =	simm.s32 $0x1;
	s21 =	simm.s32 $0x2700  }
0x5: {  	s22 =	simm.s32 $0x2780;
	s23 =	simm.s32 $0x3B00;
	s24 =	simm.s32 $0x3B80  }
0x6: {  	s25 =	simm.s32 $0x0;
	s6 =	sand.u32 $0x1, s0;
	s0 =	stileid.u32  }
0x7: {  	[smem:$0x7FF] =	sst s3;
	s4 =	sadd.s32 $0x29200, s7;
	s9 =	smul.u32 $0x140000, s6  }
0x8: {  	s11 =	sadd.s32 $0x5A400, s7;
	s1 =	sshll.u32 s6, $0x4;
	s10 =	smul.u32 $0x14000, s0  }
0x9: {  	s26 =	sshll.u32 s0, $0x7;
	s6 =	ssub.s32 $0x2, s6;
	s30 =	smul.u32 $0x50000, s0  }
0xa: {  	s17 =	sshll.u32 s0, $0x6;
	s8 =	sor.u32 s0, s1;
	s1 =	rddreg [dreg:$0x2]  }
0xb: {  	_ =	strace $0x80000047;
	s28 =	sand.u32 $0x380, s26;
	s29 =	sshrl.u32 s6, $0x1  }
0xc: {  	s17 =	sor.u32 $0x1C03, s17;
	s5 =	smul.u32 $0x500, s8;
	s8 =	sshrl.u32 s8, $0x3  }
0xd: {  	s9 =	sadd.s32 s10, s9;
	s10 =	ssub.s32 s6, s29;
	s8 =	smul.u32 $0x14000, s8  }
0xe: {  	s9 =	sshrl.u32 s9, $0x3;
	s10 =	smax.u32 s10, $0x1;
	s12 =	sadd.s32 s5, s7  }
0xf: {  	s5 =	sadd.s32 $0x64400, s7;
	s9 =	sadd.s32 s9, s7;
	s7 =	sor.u32 s28, s8  }
0x10: {  	s6 =	sadd.s32 $0x50400, s12;
	s8 =	sshrl.u32 s30, $0x2;
	s9 =	sadd.s32 $0x66C00, s9  }
0x11: {  	s31 =	sadd.s32 $0xA000, s7;
	s7 =	sshrl.u32 s7, $0x3;
	s18 =	sadd.s32 s8, s2  }
0x12: {  	s12 =	sshrl.u32 s31, $0x3;
	s7 =	sadd.s32 s11, s7;
	s18 =	sshrl.u32 s18, $0x3  }
0x13: {  	s8 =	sadd.s32 s11, s12;
	s11 =	simm.s32 $0x1400;
	s12 =	simm.s32 $0x80  }
.LBB2_1:
0x14: {  	[tilespmem:s11], [sflag:$0x2] =	stream.linear.gather [hbm4b:s6+s3], $0x2800, $0x38;
	[tilespmem:$0x1FC00] =	vst v63  }
0x15: {  	_ = 	snop  }
0x16: {  	[tilespmem:s3], [sflag:$0x2] =	stream.strided.gather [hbm4b:s7+s12], $0x1400, s13, s12, $0x38;
	[tilespmem:$0x1FC00] =	vst v63  }
0x17: {  	_ =	swait.ge [sflag:s14], $0x2800  }
0x18: {  	[sflag:s14] =	ssyncset.done $0x0  }
0x19: {  	[sflag:s14] =	ssyncadd.s32 $0xFFFFD800  }
0x1a: {  	_ =	swait.ge [sflag:s14], $0x1400  }
0x1b: {  	[sflag:s14] =	ssyncset.done $0x0  }
0x1c: {  	[sflag:s14] =	ssyncadd.s32 $0xFFFFEC00  }
0x1d: {  	[tilespmem:s15], [sflag:$0x1] =	stream.indirect.gather [hbm4b:s4+s12], $0x80, s3, s12, $0xb8;
	[tilespmem:$0x1FC00] =	vst v63  }
0x1e: {  	_ = 	snop  }
0x1f: {  	[tilespmem:s16], [sflag:$0x1] =	stream.indirect.gather [hbm4b:s4+s12], $0x80, s12, s12, $0xb8;
	[tilespmem:$0x1FC00] =	vst v63  }
0x20: {  	[spmem:s18], [sflag:s17] =	dma.local [hbm:s5], $0x2800  }
0x21: {  	_ =	swait.ge [sflag:s19], $0x2800  }
0x22: {  	[sflag:s19] =	ssyncset.done $0x0  }
0x23: {  	[sflag:s19] =	ssyncadd.s32 $0xFFFFD800  }
0x24: {  	[bflag:$0x0] =	sbarrier.arrive $0xFFFF  }
0x25: {  	_ =	swait.ge [sflag:s20], $0x4000  }
0x26: {  	[sflag:s20] =	ssyncset.done $0x0  }
0x27: {  	s26 =	simm.s32 $0x1400;
	[sflag:s20] =	ssyncadd.s32 $0xFFFFC000  }
0x28: {  	[spmem:s2] =	stream.indirect.scatter.add.f32 [tilespmem:s15], [sflag:$0x2], $0x80, s26, s12, $0xb8;
	[tilespmem:$0x1FC00] =	vst v63  }
0x29: {  	_ =	swait.ge [sflag:s20], $0x4000  }
0x2a: {  	[sflag:s20] =	ssyncset.done $0x0  }
0x2b: {  	s30 =	simm.s32 $0x1480;
	[sflag:s20] =	ssyncadd.s32 $0xFFFFC000  }
0x2c: {  	[spmem:s2] =	stream.indirect.scatter.add.f32 [tilespmem:s16], [sflag:$0x2], $0x80, s30, s12, $0xb8;
	[tilespmem:$0x1FC00] =	vst v63  }
0x2d: {  	_ =	swait.ge [sflag:s14], $0x4000  }
0x2e: {  	[sflag:s14] =	ssyncset.done $0x0  }
0x2f: {  	s31 =	simm.s32 $0x100;
	[sflag:s14] =	ssyncadd.s32 $0xFFFFC000  }
0x30: {  	[tilespmem:s15], [sflag:$0x1] =	stream.indirect.gather [hbm4b:s4+s12], $0x80, s31, s12, $0xb8;
	[tilespmem:$0x1FC00] =	vst v63  }
0x31: {  	_ =	swait.ge [sflag:s14], $0x4000  }
0x32: {  	[sflag:s14] =	ssyncset.done $0x0  }
0x33: {  	s28 =	simm.s32 $0x180;
	s26 =	simm.s32 $0x400;
	[sflag:s14] =	ssyncadd.s32 $0xFFFFC000  }
.LBB2_2:
0x34: {  	[tilespmem:s16], [sflag:$0x1] =	stream.indirect.gather [hbm4b:s4+s12], $0x80, s28, s12, $0xb8;
	[tilespmem:$0x1FC00] =	vst v63  }
0x35: {  	s28 =	smov.u32 s26  }
0x36: {  	p0 =	sne.s32 s26, $0x4800;
	s26 =	sadd.s32 $0x400, s26;
	_ =	swait.ge [sflag:s20], $0x4000  }
0x37: {  	s28 =	sshra.s32 s28, $0x2;
	[sflag:s20] =	ssyncset.done $0x0  }
0x38: {  	s29 =	sadd.s32 $0x1400, s28;
	[sflag:s20] =	ssyncadd.s32 $0xFFFFC000  }
0x39: {  	[spmem:s2] =	stream.indirect.scatter.add.f32 [tilespmem:s15], [sflag:$0x2], $0x80, s29, s12, $0xb8;
	[tilespmem:$0x1FC00] =	vst v63  }
0x3a: {  	_ =	swait.ge [sflag:s20], $0x4000  }
0x3b: {  	[sflag:s20] =	ssyncset.done $0x0  }
0x3c: {  	s29 =	sadd.s32 $0x1480, s28;
	[sflag:s20] =	ssyncadd.s32 $0xFFFFC000  }
0x3d: {  	[spmem:s2] =	stream.indirect.scatter.add.f32 [tilespmem:s16], [sflag:$0x2], $0x80, s29, s12, $0xb8;
	[tilespmem:$0x1FC00] =	vst v63  }
0x3e: {  	_ =	swait.ge [sflag:s14], $0x4000  }
0x3f: {  	[sflag:s14] =	ssyncset.done $0x0  }
.Ltmp0:
0x40: {  	s29 =	sadd.s32 $0x100, s28;
	[sflag:s14] =	ssyncadd.s32 $0xFFFFC000;
	(pc) =	sbr.rel @p0 .LBB2_2-.Ltmp0, $4  }
0x41: {  	[tilespmem:s15], [sflag:$0x1] =	stream.indirect.gather [hbm4b:s4+s12], $0x80, s29, s12, $0xb8;
	[tilespmem:$0x1FC00] =	vst v63  }
0x42: {  	_ =	swait.ge [sflag:s14], $0x4000  }
0x43: {  	[sflag:s14] =	ssyncset.done $0x0  }
0x44: {  	s28 =	sadd.s32 $0x180, s28;
	[sflag:s14] =	ssyncadd.s32 $0xFFFFC000  }
0x45: {  	[tilespmem:s16], [sflag:$0x1] =	stream.indirect.gather [hbm4b:s4+s12], $0x80, s28, s12, $0xb8;
	[tilespmem:$0x1FC00] =	vst v63  }
0x46: {  	_ =	swait.ge [sflag:s20], $0x4000  }
0x47: {  	[sflag:s20] =	ssyncset.done $0x0  }
0x48: {  	[sflag:s20] =	ssyncadd.s32 $0xFFFFC000  }
0x49: {  	[spmem:s2] =	stream.indirect.scatter.add.f32 [tilespmem:s15], [sflag:$0x2], $0x80, s21, s12, $0xb8;
	[tilespmem:$0x1FC00] =	vst v63  }
0x4a: {  	_ =	swait.ge [sflag:s20], $0x4000  }
0x4b: {  	[sflag:s20] =	ssyncset.done $0x0  }
0x4c: {  	[sflag:s20] =	ssyncadd.s32 $0xFFFFC000  }
0x4d: {  	[spmem:s2] =	stream.indirect.scatter.add.f32 [tilespmem:s16], [sflag:$0x2], $0x80, s22, s12, $0xb8;
	[tilespmem:$0x1FC00] =	vst v63  }
0x4e: {  	_ = 	snop  }
0x4f: {  	[tilespmem:s3], [sflag:$0x3] =	stream.strided.gather [hbm4b:s8+s12], $0x1400, s13, s12, $0x38;
	[tilespmem:$0x1FC00] =	vst v63  }
0x50: {  	_ =	swait.ge [sflag:s19], $0x1400  }
0x51: {  	[sflag:s19] =	ssyncset.done $0x0  }
0x52: {  	[sflag:s19] =	ssyncadd.s32 $0xFFFFEC00  }
0x53: {  	_ =	swait.ge [sflag:s14], $0x4000  }
0x54: {  	[sflag:s14] =	ssyncset.done $0x0  }
0x55: {  	[sflag:s14] =	ssyncadd.s32 $0xFFFFC000  }
0x56: {  	[tilespmem:s15], [sflag:$0x1] =	stream.indirect.gather [hbm4b:s4+s12], $0x80, s3, s12, $0xb8;
	[tilespmem:$0x1FC00] =	vst v63  }
0x57: {  	_ =	swait.ge [sflag:s14], $0x4000  }
0x58: {  	[sflag:s14] =	ssyncset.done $0x0  }
0x59: {  	[sflag:s14] =	ssyncadd.s32 $0xFFFFC000  }
0x5a: {  	[tilespmem:s16], [sflag:$0x1] =	stream.indirect.gather [hbm4b:s4+s12], $0x80, s12, s12, $0xb8;
	[tilespmem:$0x1FC00] =	vst v63  }
0x5b: {  	_ =	swait.ge [sflag:s20], $0x4000  }
0x5c: {  	[sflag:s20] =	ssyncset.done $0x0  }
0x5d: {  	s26 =	simm.s32 $0x2800;
	[sflag:s20] =	ssyncadd.s32 $0xFFFFC000  }
0x5e: {  	[spmem:s2] =	stream.indirect.scatter.add.f32 [tilespmem:s15], [sflag:$0x2], $0x80, s26, s12, $0xb8;
	[tilespmem:$0x1FC00] =	vst v63  }
0x5f: {  	_ =	swait.ge [sflag:s20], $0x4000  }
0x60: {  	[sflag:s20] =	ssyncset.done $0x0  }
0x61: {  	s30 =	simm.s32 $0x2880;
	[sflag:s20] =	ssyncadd.s32 $0xFFFFC000  }
0x62: {  	[spmem:s2] =	stream.indirect.scatter.add.f32 [tilespmem:s16], [sflag:$0x2], $0x80, s30, s12, $0xb8;
	[tilespmem:$0x1FC00] =	vst v63  }
0x63: {  	_ =	swait.ge [sflag:s14], $0x4000  }
0x64: {  	[sflag:s14] =	ssyncset.done $0x0  }
0x65: {  	s31 =	simm.s32 $0x100;
	[sflag:s14] =	ssyncadd.s32 $0xFFFFC000  }
0x66: {  	[tilespmem:s15], [sflag:$0x1] =	stream.indirect.gather [hbm4b:s4+s12], $0x80, s31, s12, $0xb8;
	[tilespmem:$0x1FC00] =	vst v63  }
0x67: {  	_ =	swait.ge [sflag:s14], $0x4000  }
0x68: {  	[sflag:s14] =	ssyncset.done $0x0  }
0x69: {  	s28 =	simm.s32 $0x180;
	s26 =	simm.s32 $0xFFFFB800;
	[sflag:s14] =	ssyncadd.s32 $0xFFFFC000  }
.LBB2_4:
0x6a: {  	[tilespmem:s16], [sflag:$0x1] =	stream.indirect.gather [hbm4b:s4+s12], $0x80, s28, s12, $0xb8;
	[tilespmem:$0x1FC00] =	vst v63  }
0x6b: {  	s28 =	smov.u32 s26  }
0x6c: {  	p0 =	sne.s32 s26, $0xFFFFFC00;
	s26 =	sadd.s32 $0x400, s26;
	_ =	swait.ge [sflag:s20], $0x4000  }
0x6d: {  	s28 =	sshra.s32 s28, $0x2;
	[sflag:s20] =	ssyncset.done $0x0  }
0x6e: {  	s29 =	sadd.s32 $0x3B00, s28;
	[sflag:s20] =	ssyncadd.s32 $0xFFFFC000  }
0x6f: {  	[spmem:s2] =	stream.indirect.scatter.add.f32 [tilespmem:s15], [sflag:$0x2], $0x80, s29, s12, $0xb8;
	[tilespmem:$0x1FC00] =	vst v63  }
0x70: {  	_ =	swait.ge [sflag:s20], $0x4000  }
0x71: {  	[sflag:s20] =	ssyncset.done $0x0  }
0x72: {  	s29 =	sadd.s32 $0x3B80, s28;
	[sflag:s20] =	ssyncadd.s32 $0xFFFFC000  }
0x73: {  	[spmem:s2] =	stream.indirect.scatter.add.f32 [tilespmem:s16], [sflag:$0x2], $0x80, s29, s12, $0xb8;
	[tilespmem:$0x1FC00] =	vst v63  }
0x74: {  	_ =	swait.ge [sflag:s14], $0x4000  }
0x75: {  	[sflag:s14] =	ssyncset.done $0x0  }
.Ltmp1:
0x76: {  	s29 =	sadd.s32 $0x1400, s28;
	[sflag:s14] =	ssyncadd.s32 $0xFFFFC000;
	(pc) =	sbr.rel @p0 .LBB2_4-.Ltmp1, $4  }
0x77: {  	[tilespmem:s15], [sflag:$0x1] =	stream.indirect.gather [hbm4b:s4+s12], $0x80, s29, s12, $0xb8;
	[tilespmem:$0x1FC00] =	vst v63  }
0x78: {  	_ =	swait.ge [sflag:s14], $0x4000  }
0x79: {  	[sflag:s14] =	ssyncset.done $0x0  }
0x7a: {  	s28 =	sadd.s32 $0x1480, s28;
	[sflag:s14] =	ssyncadd.s32 $0xFFFFC000  }
0x7b: {  	[tilespmem:s16], [sflag:$0x1] =	stream.indirect.gather [hbm4b:s4+s12], $0x80, s28, s12, $0xb8;
	[tilespmem:$0x1FC00] =	vst v63  }
0x7c: {  	_ =	swait.ge [sflag:s20], $0x4000  }
0x7d: {  	[sflag:s20] =	ssyncset.done $0x0  }
0x7e: {  	[sflag:s20] =	ssyncadd.s32 $0xFFFFC000  }
0x7f: {  	[spmem:s2] =	stream.indirect.scatter.add.f32 [tilespmem:s15], [sflag:$0x2], $0x80, s23, s12, $0xb8;
	[tilespmem:$0x1FC00] =	vst v63  }
0x80: {  	_ =	swait.ge [sflag:s20], $0x4000  }
0x81: {  	[sflag:s20] =	ssyncset.done $0x0  }
0x82: {  	[sflag:s20] =	ssyncadd.s32 $0xFFFFC000  }
0x83: {  	[spmem:s2] =	stream.indirect.scatter.add.f32 [tilespmem:s16], [sflag:$0x2], $0x80, s24, s12, $0xb8;
	[tilespmem:$0x1FC00] =	vst v63  }
0x84: {  	_ =	swait.ge [sflag:s14], $0x4000  }
0x85: {  	[sflag:s14] =	ssyncset.done $0x0  }
0x86: {  	[sflag:s14] =	ssyncadd.s32 $0xFFFFC000  }
0x87: {  	_ =	swait.ge [sflag:s14], $0x4000  }
0x88: {  	s25 =	sadd.s32 $0x1, s25;
	[sflag:s14] =	ssyncset.done $0x0  }
0x89: {  	p0 =	sne.s32 s25, s10;
	[sflag:s14] =	ssyncadd.s32 $0xFFFFC000  }
.Ltmp2:
0x8a: {  	[bflag:$0x0] =	sbarrier.arrive $0xFFFF;
	(pc) =	sbr.rel @p0 .LBB2_1-.Ltmp2, $4  }
0x8b: {  	[hbm:s9], [sflag:s17] =	dma.local [spmem:s18], $0x2800  }
0x8c: {  	_ =	swait.ge [sflag:s19], $0x2800  }
0x8d: {  	[sflag:s19] =	ssyncset.done $0x0  }
0x8e: {  	[sflag:s19] =	ssyncadd.s32 $0xFFFFD800  }
0x8f: {  	_ =	sfence.sel $0x180000  }
0x90: {  	[bflag:$0x0] =	sbarrier.arrive $0xFFFF  }
0x91: {  	p0 =	sne.s32 s0, $0x0;
	_ =	strace $0x90000047  }
0x92: {  	s0 =	sadd.s32 @!p0 $0x100000, s1;
	[bflag:$0x2] =	sbarrier.arrive $0xFFFF  }
0x93: {  	[sflag:s0] =	ssyncadd.tile.s32 @!p0 $0x1;
	_ =	shalt  }
.Lfunc_end2:
_tile_overlayer_lowered:
.L_overlay_start_2:
0x94: {  	(tag) =	ssettag $0x2  }
0x95: {  	s0 =	rddreg [dreg:$0x0];
	s2 =	stileid.u32  }
0x96: {  	s1 =	rddreg [dreg:$0x1];
	p0 =	sne.s32 s2, $0x0  }
0x97: {  	s3 =	rddreg [dreg:$0x2];
	[bflag:$0x3] =	sbarrier.arrive $0xFFFF;
	s2 =	simm.s32 @!p0 $0x1C03  }
0x98: {  	[timem:s3], [sflag:s2] =	dma.local @!p0 [hbm:s0], s1  }
0x99: {  	s0 =	simm.s32 @!p0 $0x3  }
0x9a: {  	_ =	swait.ge @!p0 [sflag:s0], s1  }
0x9b: {  	s1 =	ssub.s32 @!p0 $0x0, s1;
	[sflag:s0] =	ssyncset.done @!p0 $0x0  }
0x9c: {  	[sflag:s0] =	ssyncadd.s32 @!p0 s1  }
0x9d: {  	[bflag:$0x3] =	sbarrier.arrive $0xFFFF  }
0x9e: {  	_ =	shalt  }

</sc_bundles>
